<compile_context>
chip_gen: v7x
topology: tpu7x:2x2x1
jax: 0.10.2.dev20260603
libtpu: 0.0.44.dev20260713+nightly
codegen_flags: <defaults>
</compile_context>

<pallas_src>
import jax
import jax.numpy as jnp
from jax import lax
from jax.experimental import pallas as pl
from jax.experimental.pallas import tpu as pltpu
from jax.experimental.pallas import tpu_sc as plsc

B = 1024
L_DOC = 200
L_Q = 50
LT = L_DOC + L_Q
D = 64
NW = 32
TPW = B * LT // NW
CH = 80
NCH = TPW // CH
NBUF = 5
PEXT = CH * ((LT + CH - 1) // CH) + CH


def _emb_kernel(ids_hbm, pos_hbm, table_hbm, out_hbm,
                idx_v, pos_v, rows_g, rows_o, *sems):
    gsems = sems[:NBUF]
    osems = sems[NBUF:]
    wid = lax.axis_index("s") * 2 + lax.axis_index("c")
    base = wid * TPW
    pltpu.sync_copy(ids_hbm.at[wid], idx_v)
    pltpu.sync_copy(pos_hbm, pos_v)

    def gather(c, b):
        return pltpu.make_async_copy(
            table_hbm.at[idx_v.at[c]], rows_g.at[b], gsems[b])

    def out_copy(c, b):
        return pltpu.make_async_copy(
            rows_o.at[b], out_hbm.at[pl.ds(base + c * CH, CH)], osems[b])

    for b in range(NBUF):
        gather(b, b).start()

    def outer(c0, carry):
        for b in range(NBUF):
            c = c0 * NBUF + b
            gather(c, b).wait()

            @pl.when(c0 > 0)
            def _wait_prev():
                out_copy(c - NBUF, b).wait()

            poff = lax.rem(c * CH, LT)

            def add_body(r, carry2):
                for j in range(4):
                    sl = pl.ds(j * 16, 16)
                    rows_o[b, r, sl] = rows_g[b, r, sl] + pos_v[poff + r, sl]
                return carry2

            lax.fori_loop(0, CH, add_body, 0)

            @pl.when(c + NBUF < NCH)
            def _next_gather():
                gather(c + NBUF, b).start()

            out_copy(c, b).start()
        return carry

    lax.fori_loop(0, NCH // NBUF, outer, 0)
    for b in range(NBUF):
        out_copy(NCH - NBUF + b, b).wait()


def kernel(x1_ids, x2_ids, emb_table, pos_table):
    ids = jnp.concatenate([x1_ids, x2_ids], axis=1).astype(jnp.int32)
    ids_r = ids.reshape(NW, NCH, CH)
    pos_full = jnp.concatenate([pos_table[:L_DOC], pos_table[:L_Q]], axis=0)
    pos_ext = jnp.concatenate([pos_full, pos_full[: PEXT - LT]], axis=0)
    out = pl.kernel(
        _emb_kernel,
        out_type=jax.ShapeDtypeStruct((B * LT, D), jnp.float32),
        mesh=plsc.VectorSubcoreMesh(core_axis_name="c", subcore_axis_name="s"),
        compiler_params=pltpu.CompilerParams(use_tc_tiling_on_sc=False),
        scratch_types=[
            pltpu.VMEM((NCH, CH), jnp.int32),
            pltpu.VMEM((PEXT, D), jnp.float32),
            pltpu.VMEM((NBUF, CH, D), jnp.float32),
            pltpu.VMEM((NBUF, CH, D), jnp.float32),
        ] + [pltpu.SemaphoreType.DMA] * (2 * NBUF),
    )(ids_r, pos_ext, emb_table)
    return out.reshape(B, LT, D)

# --- scband reference (transcript-rebuilt; emitter-appended) ---
"""Pipeline reference for scband-doc-reader-41695542509789 (READ-ONLY COPY).

The authoritative reference and input builder live on the scoring server;
editing this copy changes nothing except your own understanding.
"""

import jax, jax.numpy as jnp
import numpy as np

VOCAB = 1000000
D = 64
NPOS = 1000
B = 1024
L_DOC = 200
L_Q = 50


def position_encoding_init(n_position, d_pos_vec):
    # Sinusoidal position encoding, as in layers.position_encoding_init
    position_enc = np.array([
        [pos / np.power(10000, 2 * (j // 2) / d_pos_vec) for j in range(d_pos_vec)]
        if pos != 0 else np.zeros(d_pos_vec)
        for pos in range(n_position)])
    position_enc[1:, 0::2] = np.sin(position_enc[1:, 0::2])
    position_enc[1:, 1::2] = np.cos(position_enc[1:, 1::2])
    return jnp.asarray(position_enc, dtype=jnp.float32)


def setup_inputs(seed: int = 0) -> dict:
    key = jax.random.key(seed)
    k1, k2, k3 = jax.random.split(key, 3)
    x1_ids = jax.random.randint(k1, (B, L_DOC), 0, VOCAB)
    x2_ids = jax.random.randint(k2, (B, L_Q), 0, VOCAB)
    emb_table = jax.random.normal(k3, (VOCAB, D), dtype=jnp.float32) * 0.02
    emb_table = emb_table.at[0].set(0.0)  # padding_idx = 0
    pos_table = position_encoding_init(NPOS, D)  # frozen order embedding
    return {"x1_ids": x1_ids, "x2_ids": x2_ids, "emb_table": emb_table, "pos_table": pos_table}


def reference(x1_ids, x2_ids, emb_table, pos_table):
    # DocReader embedding-lookup stage: word embedding (padding_idx=0)
    # plus fixed sinusoidal order embedding for doc (x1) and question (x2).
    x1 = jnp.take(emb_table, x1_ids, axis=0)
    x1 = jnp.where((x1_ids == 0)[..., None], 0.0, x1)
    pos1 = jnp.take(pos_table, jnp.arange(x1_ids.shape[1]), axis=0)
    x1 = x1 + pos1[None, :, :]

    x2 = jnp.take(emb_table, x2_ids, axis=0)
    x2 = jnp.where((x2_ids == 0)[..., None], 0.0, x2)
    pos2 = jnp.take(pos_table, jnp.arange(x2_ids.shape[1]), axis=0)
    x2 = x2 + pos2[None, :, :]

    # concatenate doc and question token representations along sequence axis
    return jnp.concatenate([x1, x2], axis=1)

if __name__ == "__main__":
    import jax
    _d = setup_inputs()
    print(jax.jit(kernel)(*tuple(_d.values())))

</pallas_src>

<mosaic_0001>
#map = affine_map<(d0, d1) -> (0, 0, 0)>
#map1 = affine_map<(d0, d1) -> (0, 0)>
module attributes {stable_mosaic.version = 14 : i64} {
  func.func @_emb_kernel(%arg0: i32, %arg1: i32, %arg2: memref<32x100x80xi32, #tpu.memory_space<hbm>>, %arg3: memref<400x64xf32, #tpu.memory_space<hbm>>, %arg4: memref<1000000x64xf32, #tpu.memory_space<hbm>>, %arg5: memref<256000x64xf32, #tpu.memory_space<hbm>>, %arg6: memref<100x80xi32, #tpu.memory_space<vmem>>, %arg7: memref<400x64xf32, #tpu.memory_space<vmem>>, %arg8: memref<5x80x64xf32, #tpu.memory_space<vmem>>, %arg9: memref<5x80x64xf32, #tpu.memory_space<vmem>>, %arg10: memref<!tpu.dma_semaphore, #tpu.memory_space<semaphore_mem>>, %arg11: memref<!tpu.dma_semaphore, #tpu.memory_space<semaphore_mem>>, %arg12: memref<!tpu.dma_semaphore, #tpu.memory_space<semaphore_mem>>, %arg13: memref<!tpu.dma_semaphore, #tpu.memory_space<semaphore_mem>>, %arg14: memref<!tpu.dma_semaphore, #tpu.memory_space<semaphore_mem>>, %arg15: memref<!tpu.dma_semaphore, #tpu.memory_space<semaphore_mem>>, %arg16: memref<!tpu.dma_semaphore, #tpu.memory_space<semaphore_mem>>, %arg17: memref<!tpu.dma_semaphore, #tpu.memory_space<semaphore_mem>>, %arg18: memref<!tpu.dma_semaphore, #tpu.memory_space<semaphore_mem>>, %arg19: memref<!tpu.dma_semaphore, #tpu.memory_space<semaphore_mem>>) attributes {dimension_semantics = [#tpu.dimension_semantics<core_parallel>, #tpu.dimension_semantics<subcore_parallel>], iteration_bounds = array<i64: 2, 16>, scalar_prefetch = 0 : i64, scratch_operands = 14 : i64, tpu.core_type = #tpu.core_type<sc_vector_subcore>, window_params = [{transform_indices = #map}, {transform_indices = #map1}, {transform_indices = #map1}, {transform_indices = #map1}]} {
    %mul3A = arith.constant 2 : i32
    %mul3A_0 = arith.muli %arg1, %mul3A : i32
    %add3A = arith.addi %mul3A_0, %arg0 : i32
    %mul3A_1 = arith.constant 8000 : i32
    %mul3A_2 = arith.muli %add3A, %mul3A_1 : i32
    "tpu.region"() ({
      %run_scoped3A = tpu.sem_alloc : memref<!tpu.dma_semaphore, #tpu.memory_space<semaphore_mem>>
      %dma_start3A_141 = arith.constant 0 : i32
      %dma_start3A_142 = arith.constant 0 : i32
      %dma_start3A_143 = tpu.memref_slice %arg2[%add3A, %dma_start3A_141, %dma_start3A_142] : memref<32x100x80xi32, #tpu.memory_space<hbm>> -> memref<1x100x80xi32, #tpu.memory_space<hbm>>
      %dma_start3A_144 = tpu.memref_squeeze %dma_start3A_143 : memref<1x100x80xi32, #tpu.memory_space<hbm>> -> memref<100x80xi32, #tpu.memory_space<hbm>>
      %dma_start3A_145 = arith.constant 0 : i32
      %dma_start3A_146 = arith.constant 0 : i32
      %dma_start3A_147 = tpu.memref_slice %arg2[%add3A, %dma_start3A_145, %dma_start3A_146] : memref<32x100x80xi32, #tpu.memory_space<hbm>> -> memref<1x100x80xi32, #tpu.memory_space<hbm>>
      %dma_start3A_148 = tpu.memref_squeeze %dma_start3A_147 : memref<1x100x80xi32, #tpu.memory_space<hbm>> -> memref<100x80xi32, #tpu.memory_space<hbm>>
      tpu.enqueue_dma source(%dma_start3A_148 : memref<100x80xi32, #tpu.memory_space<hbm>>) target(%arg6 : memref<100x80xi32, #tpu.memory_space<vmem>>) target_semaphore(%run_scoped3A : memref<!tpu.dma_semaphore, #tpu.memory_space<semaphore_mem>>)
      %dma_wait3A_149 = arith.constant 0 : i32
      %dma_wait3A_150 = arith.constant 0 : i32
      %dma_wait3A_151 = tpu.memref_slice %arg2[%add3A, %dma_wait3A_149, %dma_wait3A_150] : memref<32x100x80xi32, #tpu.memory_space<hbm>> -> memref<1x100x80xi32, #tpu.memory_space<hbm>>
      %dma_wait3A_152 = tpu.memref_squeeze %dma_wait3A_151 : memref<1x100x80xi32, #tpu.memory_space<hbm>> -> memref<100x80xi32, #tpu.memory_space<hbm>>
      %dma_wait3A_153 = arith.constant 0 : i32
      %dma_wait3A_154 = arith.constant 0 : i32
      %dma_wait3A_155 = tpu.memref_slice %arg2[%add3A, %dma_wait3A_153, %dma_wait3A_154] : memref<32x100x80xi32, #tpu.memory_space<hbm>> -> memref<1x100x80xi32, #tpu.memory_space<hbm>>
      %dma_wait3A_156 = tpu.memref_squeeze %dma_wait3A_155 : memref<1x100x80xi32, #tpu.memory_space<hbm>> -> memref<100x80xi32, #tpu.memory_space<hbm>>
      tpu.wait_dma2 semaphore(%run_scoped3A : memref<!tpu.dma_semaphore, #tpu.memory_space<semaphore_mem>>) src(%dma_wait3A_156 : memref<100x80xi32, #tpu.memory_space<hbm>>) dst(%arg6 : memref<100x80xi32, #tpu.memory_space<vmem>>)
      tpu.yield
    }) : () -> ()
    "tpu.region"() ({
      %run_scoped3A = tpu.sem_alloc : memref<!tpu.dma_semaphore, #tpu.memory_space<semaphore_mem>>
      tpu.enqueue_dma source(%arg3 : memref<400x64xf32, #tpu.memory_space<hbm>>) target(%arg7 : memref<400x64xf32, #tpu.memory_space<vmem>>) target_semaphore(%run_scoped3A : memref<!tpu.dma_semaphore, #tpu.memory_space<semaphore_mem>>)
      tpu.wait_dma2 semaphore(%run_scoped3A : memref<!tpu.dma_semaphore, #tpu.memory_space<semaphore_mem>>) src(%arg3 : memref<400x64xf32, #tpu.memory_space<hbm>>) dst(%arg7 : memref<400x64xf32, #tpu.memory_space<vmem>>)
      tpu.yield
    }) : () -> ()
    %dma_start3A = arith.constant 0 : i32
    %dma_start3A_3 = arith.constant 0 : i32
    %dma_start3A_4 = arith.constant 0 : i32
    %dma_start3A_5 = arith.constant 0 : i32
    %dma_start3A_6 = tpu.memref_slice %arg8[%dma_start3A_3, %dma_start3A_4, %dma_start3A_5] : memref<5x80x64xf32, #tpu.memory_space<vmem>> -> memref<1x80x64xf32, #tpu.memory_space<vmem>>
    %dma_start3A_7 = tpu.memref_squeeze %dma_start3A_6 : memref<1x80x64xf32, #tpu.memory_space<vmem>> -> memref<80x64xf32, #tpu.memory_space<vmem>>
    %dma_start3A_8 = arith.constant 0 : i32
    %dma_start3A_9 = tpu.memref_slice %arg6[%dma_start3A, %dma_start3A_8] : memref<100x80xi32, #tpu.memory_space<vmem>> -> memref<1x80xi32, #tpu.memory_space<vmem>>
    %dma_start3A_10 = tpu.memref_squeeze %dma_start3A_9 : memref<1x80xi32, #tpu.memory_space<vmem>> -> memref<80xi32, #tpu.memory_space<vmem>>
    %dma_start3A_11 = arith.constant 0 : i32
    %dma_start3A_12 = arith.constant 0 : i32
    %dma_start3A_13 = tpu.memref_slice %arg4[%dma_start3A_11, %dma_start3A_12] : memref<1000000x64xf32, #tpu.memory_space<hbm>> -> memref<1000000x64xf32, #tpu.memory_space<hbm>>
    tpu.enqueue_indirect_dma source(%dma_start3A_13 : memref<1000000x64xf32, #tpu.memory_space<hbm>>) target(%dma_start3A_7 : memref<80x64xf32, #tpu.memory_space<vmem>>) offsets(%dma_start3A_10 : memref<80xi32, #tpu.memory_space<vmem>>) semaphore(%arg10 : memref<!tpu.dma_semaphore, #tpu.memory_space<semaphore_mem>>)
    %dma_start3A_14 = arith.constant 1 : i32
    %dma_start3A_15 = arith.constant 1 : i32
    %dma_start3A_16 = arith.constant 0 : i32
    %dma_start3A_17 = arith.constant 0 : i32
    %dma_start3A_18 = tpu.memref_slice %arg8[%dma_start3A_15, %dma_start3A_16, %dma_start3A_17] : memref<5x80x64xf32, #tpu.memory_space<vmem>> -> memref<1x80x64xf32, #tpu.memory_space<vmem>>
    %dma_start3A_19 = tpu.memref_squeeze %dma_start3A_18 : memref<1x80x64xf32, #tpu.memory_space<vmem>> -> memref<80x64xf32, #tpu.memory_space<vmem>>
    %dma_start3A_20 = arith.constant 0 : i32
    %dma_start3A_21 = tpu.memref_slice %arg6[%dma_start3A_14, %dma_start3A_20] : memref<100x80xi32, #tpu.memory_space<vmem>> -> memref<1x80xi32, #tpu.memory_space<vmem>>
    %dma_start3A_22 = tpu.memref_squeeze %dma_start3A_21 : memref<1x80xi32, #tpu.memory_space<vmem>> -> memref<80xi32, #tpu.memory_space<vmem>>
    %dma_start3A_23 = arith.constant 0 : i32
    %dma_start3A_24 = arith.constant 0 : i32
    %dma_start3A_25 = tpu.memref_slice %arg4[%dma_start3A_23, %dma_start3A_24] : memref<1000000x64xf32, #tpu.memory_space<hbm>> -> memref<1000000x64xf32, #tpu.memory_space<hbm>>
    tpu.enqueue_indirect_dma source(%dma_start3A_25 : memref<1000000x64xf32, #tpu.memory_space<hbm>>) target(%dma_start3A_19 : memref<80x64xf32, #tpu.memory_space<vmem>>) offsets(%dma_start3A_22 : memref<80xi32, #tpu.memory_space<vmem>>) semaphore(%arg11 : memref<!tpu.dma_semaphore, #tpu.memory_space<semaphore_mem>>)
    %dma_start3A_26 = arith.constant 2 : i32
    %dma_start3A_27 = arith.constant 2 : i32
    %dma_start3A_28 = arith.constant 0 : i32
    %dma_start3A_29 = arith.constant 0 : i32
    %dma_start3A_30 = tpu.memref_slice %arg8[%dma_start3A_27, %dma_start3A_28, %dma_start3A_29] : memref<5x80x64xf32, #tpu.memory_space<vmem>> -> memref<1x80x64xf32, #tpu.memory_space<vmem>>
    %dma_start3A_31 = tpu.memref_squeeze %dma_start3A_30 : memref<1x80x64xf32, #tpu.memory_space<vmem>> -> memref<80x64xf32, #tpu.memory_space<vmem>>
    %dma_start3A_32 = arith.constant 0 : i32
    %dma_start3A_33 = tpu.memref_slice %arg6[%dma_start3A_26, %dma_start3A_32] : memref<100x80xi32, #tpu.memory_space<vmem>> -> memref<1x80xi32, #tpu.memory_space<vmem>>
    %dma_start3A_34 = tpu.memref_squeeze %dma_start3A_33 : memref<1x80xi32, #tpu.memory_space<vmem>> -> memref<80xi32, #tpu.memory_space<vmem>>
    %dma_start3A_35 = arith.constant 0 : i32
    %dma_start3A_36 = arith.constant 0 : i32
    %dma_start3A_37 = tpu.memref_slice %arg4[%dma_start3A_35, %dma_start3A_36] : memref<1000000x64xf32, #tpu.memory_space<hbm>> -> memref<1000000x64xf32, #tpu.memory_space<hbm>>
    tpu.enqueue_indirect_dma source(%dma_start3A_37 : memref<1000000x64xf32, #tpu.memory_space<hbm>>) target(%dma_start3A_31 : memref<80x64xf32, #tpu.memory_space<vmem>>) offsets(%dma_start3A_34 : memref<80xi32, #tpu.memory_space<vmem>>) semaphore(%arg12 : memref<!tpu.dma_semaphore, #tpu.memory_space<semaphore_mem>>)
    %dma_start3A_38 = arith.constant 3 : i32
    %dma_start3A_39 = arith.constant 3 : i32
    %dma_start3A_40 = arith.constant 0 : i32
    %dma_start3A_41 = arith.constant 0 : i32
    %dma_start3A_42 = tpu.memref_slice %arg8[%dma_start3A_39, %dma_start3A_40, %dma_start3A_41] : memref<5x80x64xf32, #tpu.memory_space<vmem>> -> memref<1x80x64xf32, #tpu.memory_space<vmem>>
    %dma_start3A_43 = tpu.memref_squeeze %dma_start3A_42 : memref<1x80x64xf32, #tpu.memory_space<vmem>> -> memref<80x64xf32, #tpu.memory_space<vmem>>
    %dma_start3A_44 = arith.constant 0 : i32
    %dma_start3A_45 = tpu.memref_slice %arg6[%dma_start3A_38, %dma_start3A_44] : memref<100x80xi32, #tpu.memory_space<vmem>> -> memref<1x80xi32, #tpu.memory_space<vmem>>
    %dma_start3A_46 = tpu.memref_squeeze %dma_start3A_45 : memref<1x80xi32, #tpu.memory_space<vmem>> -> memref<80xi32, #tpu.memory_space<vmem>>
    %dma_start3A_47 = arith.constant 0 : i32
    %dma_start3A_48 = arith.constant 0 : i32
    %dma_start3A_49 = tpu.memref_slice %arg4[%dma_start3A_47, %dma_start3A_48] : memref<1000000x64xf32, #tpu.memory_space<hbm>> -> memref<1000000x64xf32, #tpu.memory_space<hbm>>
    tpu.enqueue_indirect_dma source(%dma_start3A_49 : memref<1000000x64xf32, #tpu.memory_space<hbm>>) target(%dma_start3A_43 : memref<80x64xf32, #tpu.memory_space<vmem>>) offsets(%dma_start3A_46 : memref<80xi32, #tpu.memory_space<vmem>>) semaphore(%arg13 : memref<!tpu.dma_semaphore, #tpu.memory_space<semaphore_mem>>)
    %dma_start3A_50 = arith.constant 4 : i32
    %dma_start3A_51 = arith.constant 4 : i32
    %dma_start3A_52 = arith.constant 0 : i32
    %dma_start3A_53 = arith.constant 0 : i32
    %dma_start3A_54 = tpu.memref_slice %arg8[%dma_start3A_51, %dma_start3A_52, %dma_start3A_53] : memref<5x80x64xf32, #tpu.memory_space<vmem>> -> memref<1x80x64xf32, #tpu.memory_space<vmem>>
    %dma_start3A_55 = tpu.memref_squeeze %dma_start3A_54 : memref<1x80x64xf32, #tpu.memory_space<vmem>> -> memref<80x64xf32, #tpu.memory_space<vmem>>
    %dma_start3A_56 = arith.constant 0 : i32
    %dma_start3A_57 = tpu.memref_slice %arg6[%dma_start3A_50, %dma_start3A_56] : memref<100x80xi32, #tpu.memory_space<vmem>> -> memref<1x80xi32, #tpu.memory_space<vmem>>
    %dma_start3A_58 = tpu.memref_squeeze %dma_start3A_57 : memref<1x80xi32, #tpu.memory_space<vmem>> -> memref<80xi32, #tpu.memory_space<vmem>>
    %dma_start3A_59 = arith.constant 0 : i32
    %dma_start3A_60 = arith.constant 0 : i32
    %dma_start3A_61 = tpu.memref_slice %arg4[%dma_start3A_59, %dma_start3A_60] : memref<1000000x64xf32, #tpu.memory_space<hbm>> -> memref<1000000x64xf32, #tpu.memory_space<hbm>>
    tpu.enqueue_indirect_dma source(%dma_start3A_61 : memref<1000000x64xf32, #tpu.memory_space<hbm>>) target(%dma_start3A_55 : memref<80x64xf32, #tpu.memory_space<vmem>>) offsets(%dma_start3A_58 : memref<80xi32, #tpu.memory_space<vmem>>) semaphore(%arg14 : memref<!tpu.dma_semaphore, #tpu.memory_space<semaphore_mem>>)
    %scan3A = arith.constant 0 : i32
    %scan3A_62 = arith.constant 0 : i32
    %scan3A_63 = arith.constant 20 : i32
    %scan3A_64 = arith.addi %scan3A_62, %scan3A_63 : i32
    %scan3A_65 = arith.constant 1 : i32
    scf.for %scan3A_141 = %scan3A_62 to %scan3A_64 step %scan3A_65  : i32 {
      %mul3A_142 = arith.constant 5 : i32
      %mul3A_143 = arith.muli %scan3A_141, %mul3A_142 : i32
      %add3A_144 = arith.constant 0 : i32
      %add3A_145 = arith.addi %mul3A_143, %add3A_144 : i32
      %dma_wait3A_146 = arith.constant 0 : i32
      %dma_wait3A_147 = arith.constant 0 : i32
      %dma_wait3A_148 = arith.constant 0 : i32
      %dma_wait3A_149 = tpu.memref_slice %arg8[%dma_wait3A_146, %dma_wait3A_147, %dma_wait3A_148] : memref<5x80x64xf32, #tpu.memory_space<vmem>> -> memref<1x80x64xf32, #tpu.memory_space<vmem>>
      %dma_wait3A_150 = tpu.memref_squeeze %dma_wait3A_149 : memref<1x80x64xf32, #tpu.memory_space<vmem>> -> memref<80x64xf32, #tpu.memory_space<vmem>>
      %dma_wait3A_151 = arith.constant 0 : i32
      %dma_wait3A_152 = tpu.memref_slice %arg6[%add3A_145, %dma_wait3A_151] : memref<100x80xi32, #tpu.memory_space<vmem>> -> memref<1x80xi32, #tpu.memory_space<vmem>>
      %dma_wait3A_153 = tpu.memref_squeeze %dma_wait3A_152 : memref<1x80xi32, #tpu.memory_space<vmem>> -> memref<80xi32, #tpu.memory_space<vmem>>
      %dma_wait3A_154 = arith.constant 0 : i32
      %dma_wait3A_155 = arith.constant 0 : i32
      %dma_wait3A_156 = tpu.memref_slice %arg4[%dma_wait3A_154, %dma_wait3A_155] : memref<1000000x64xf32, #tpu.memory_space<hbm>> -> memref<1000000x64xf32, #tpu.memory_space<hbm>>
      tpu.wait_indirect_dma semaphore(%arg10 : memref<!tpu.dma_semaphore, #tpu.memory_space<semaphore_mem>>) src(%dma_wait3A_156 : memref<1000000x64xf32, #tpu.memory_space<hbm>>) dst(%dma_wait3A_150 : memref<80x64xf32, #tpu.memory_space<vmem>>)
      %gt3A = arith.constant 0 : i32
      %gt3A_157 = arith.cmpi sgt, %scan3A_141, %gt3A : i32
      %convert_element_type3A = arith.extui %gt3A_157 : i1 to i32
      %cond3A = arith.constant 0 : i32
      %cond3A_158 = arith.cmpi ne, %convert_element_type3A, %cond3A : i32
      scf.if %cond3A_158 {
        %sub3A = arith.constant 5 : i32
        %sub3A_402 = arith.subi %add3A_145, %sub3A : i32
        %mul3A_403 = arith.constant 80 : i32
        %mul3A_404 = arith.muli %sub3A_402, %mul3A_403 : i32
        %add3A_405 = arith.addi %mul3A_2, %mul3A_404 : i32
        %dma_wait3A_406 = arith.constant 0 : i32
        %dma_wait3A_407 = arith.constant 0 : i32
        %dma_wait3A_408 = arith.constant 0 : i32
        %dma_wait3A_409 = tpu.memref_slice %arg9[%dma_wait3A_406, %dma_wait3A_407, %dma_wait3A_408] : memref<5x80x64xf32, #tpu.memory_space<vmem>> -> memref<1x80x64xf32, #tpu.memory_space<vmem>>
        %dma_wait3A_410 = tpu.memref_squeeze %dma_wait3A_409 : memref<1x80x64xf32, #tpu.memory_space<vmem>> -> memref<80x64xf32, #tpu.memory_space<vmem>>
        %dma_wait3A_411 = arith.constant 0 : i32
        %dma_wait3A_412 = tpu.memref_slice %arg5[%add3A_405, %dma_wait3A_411] : memref<256000x64xf32, #tpu.memory_space<hbm>> -> memref<80x64xf32, #tpu.memory_space<hbm>>
        %dma_wait3A_413 = arith.constant 0 : i32
        %dma_wait3A_414 = tpu.memref_slice %arg5[%add3A_405, %dma_wait3A_413] : memref<256000x64xf32, #tpu.memory_space<hbm>> -> memref<80x64xf32, #tpu.memory_space<hbm>>
        %dma_wait3A_415 = arith.constant 0 : i32
        %dma_wait3A_416 = arith.constant 0 : i32
        %dma_wait3A_417 = tpu.memref_slice %arg9[%dma_wait3A_406, %dma_wait3A_415, %dma_wait3A_416] : memref<5x80x64xf32, #tpu.memory_space<vmem>> -> memref<1x80x64xf32, #tpu.memory_space<vmem>>
        %dma_wait3A_418 = tpu.memref_squeeze %dma_wait3A_417 : memref<1x80x64xf32, #tpu.memory_space<vmem>> -> memref<80x64xf32, #tpu.memory_space<vmem>>
        tpu.wait_dma2 semaphore(%arg15 : memref<!tpu.dma_semaphore, #tpu.memory_space<semaphore_mem>>) src(%dma_wait3A_418 : memref<80x64xf32, #tpu.memory_space<vmem>>) dst(%dma_wait3A_414 : memref<80x64xf32, #tpu.memory_space<hbm>>)
      } else {
      }
      %mul3A_159 = arith.constant 80 : i32
      %mul3A_160 = arith.muli %add3A_145, %mul3A_159 : i32
      %rem3A = arith.constant 250 : i32
      %rem3A_161 = arith.remsi %mul3A_160, %rem3A : i32
      %scan3A_162 = arith.constant 0 : i32
      %scan3A_163 = arith.constant 0 : i32
      %scan3A_164 = arith.constant 80 : i32
      %scan3A_165 = arith.addi %scan3A_163, %scan3A_164 : i32
      %scan3A_166 = arith.constant 1 : i32
      scf.for %scan3A_402 = %scan3A_163 to %scan3A_165 step %scan3A_166  : i32 {
        %get3A = arith.constant 0 : i32
        %get3A_403 = arith.index_cast %get3A : i32 to index
        %get3A_404 = arith.index_cast %scan3A_402 : i32 to index
        %get3A_405 = arith.constant 0 : index
        %get3A_406 = tpu.vector_load %arg8[%get3A_403, %get3A_404, %get3A_405] {strides = array<i32>} : memref<5x80x64xf32, #tpu.memory_space<vmem>>, vector<1x1x16xf32>,
        %get3A_407 = vector.shape_cast %get3A_406 : vector<1x1x16xf32> to vector<16xf32>
        %add3A_408 = arith.addi %rem3A_161, %scan3A_402 : i32
        %get3A_409 = arith.index_cast %add3A_408 : i32 to index
        %get3A_410 = arith.constant 0 : index
        %get3A_411 = tpu.vector_load %arg7[%get3A_409, %get3A_410] {strides = array<i32>} : memref<400x64xf32, #tpu.memory_space<vmem>>, vector<1x16xf32>,
        %get3A_412 = vector.shape_cast %get3A_411 : vector<1x16xf32> to vector<16xf32>
        %add3A_413 = arith.addf %get3A_407, %get3A_412 : vector<16xf32>
        %swap3A = arith.constant 0 : i32
        %swap3A_414 = arith.index_cast %swap3A : i32 to index
        %swap3A_415 = arith.index_cast %scan3A_402 : i32 to index
        %swap3A_416 = arith.constant 0 : index
        %swap3A_417 = tpu.vector_load %arg9[%swap3A_414, %swap3A_415, %swap3A_416] {strides = array<i32>} : memref<5x80x64xf32, #tpu.memory_space<vmem>>, vector<1x1x16xf32>,
        %swap3A_418 = vector.shape_cast %swap3A_417 : vector<1x1x16xf32> to vector<16xf32>
        %swap3A_419 = vector.shape_cast %add3A_413 : vector<16xf32> to vector<1x1x16xf32>
        tpu.vector_store %arg9[%swap3A_414, %swap3A_415, %swap3A_416], %swap3A_419 {strides = array<i32>} : memref<5x80x64xf32, #tpu.memory_space<vmem>>, vector<1x1x16xf32>,
        %get3A_420 = arith.constant 0 : i32
        %get3A_421 = arith.index_cast %get3A_420 : i32 to index
        %get3A_422 = arith.index_cast %scan3A_402 : i32 to index
        %get3A_423 = arith.constant 16 : index
        %get3A_424 = tpu.vector_load %arg8[%get3A_421, %get3A_422, %get3A_423] {strides = array<i32>} : memref<5x80x64xf32, #tpu.memory_space<vmem>>, vector<1x1x16xf32>,
        %get3A_425 = vector.shape_cast %get3A_424 : vector<1x1x16xf32> to vector<16xf32>
        %add3A_426 = arith.addi %rem3A_161, %scan3A_402 : i32
        %get3A_427 = arith.index_cast %add3A_426 : i32 to index
        %get3A_428 = arith.constant 16 : index
        %get3A_429 = tpu.vector_load %arg7[%get3A_427, %get3A_428] {strides = array<i32>} : memref<400x64xf32, #tpu.memory_space<vmem>>, vector<1x16xf32>,
        %get3A_430 = vector.shape_cast %get3A_429 : vector<1x16xf32> to vector<16xf32>
        %add3A_431 = arith.addf %get3A_425, %get3A_430 : vector<16xf32>
        %swap3A_432 = arith.constant 0 : i32
        %swap3A_433 = arith.index_cast %swap3A_432 : i32 to index
        %swap3A_434 = arith.index_cast %scan3A_402 : i32 to index
        %swap3A_435 = arith.constant 16 : index
        %swap3A_436 = tpu.vector_load %arg9[%swap3A_433, %swap3A_434, %swap3A_435] {strides = array<i32>} : memref<5x80x64xf32, #tpu.memory_space<vmem>>, vector<1x1x16xf32>,
        %swap3A_437 = vector.shape_cast %swap3A_436 : vector<1x1x16xf32> to vector<16xf32>
        %swap3A_438 = vector.shape_cast %add3A_431 : vector<16xf32> to vector<1x1x16xf32>
        tpu.vector_store %arg9[%swap3A_433, %swap3A_434, %swap3A_435], %swap3A_438 {strides = array<i32>} : memref<5x80x64xf32, #tpu.memory_space<vmem>>, vector<1x1x16xf32>,
        %get3A_439 = arith.constant 0 : i32
        %get3A_440 = arith.index_cast %get3A_439 : i32 to index
        %get3A_441 = arith.index_cast %scan3A_402 : i32 to index
        %get3A_442 = arith.constant 32 : index
        %get3A_443 = tpu.vector_load %arg8[%get3A_440, %get3A_441, %get3A_442] {strides = array<i32>} : memref<5x80x64xf32, #tpu.memory_space<vmem>>, vector<1x1x16xf32>,
        %get3A_444 = vector.shape_cast %get3A_443 : vector<1x1x16xf32> to vector<16xf32>
        %add3A_445 = arith.addi %rem3A_161, %scan3A_402 : i32
        %get3A_446 = arith.index_cast %add3A_445 : i32 to index
        %get3A_447 = arith.constant 32 : index
        %get3A_448 = tpu.vector_load %arg7[%get3A_446, %get3A_447] {strides = array<i32>} : memref<400x64xf32, #tpu.memory_space<vmem>>, vector<1x16xf32>,
        %get3A_449 = vector.shape_cast %get3A_448 : vector<1x16xf32> to vector<16xf32>
        %add3A_450 = arith.addf %get3A_444, %get3A_449 : vector<16xf32>
        %swap3A_451 = arith.constant 0 : i32
        %swap3A_452 = arith.index_cast %swap3A_451 : i32 to index
        %swap3A_453 = arith.index_cast %scan3A_402 : i32 to index
        %swap3A_454 = arith.constant 32 : index
        %swap3A_455 = tpu.vector_load %arg9[%swap3A_452, %swap3A_453, %swap3A_454] {strides = array<i32>} : memref<5x80x64xf32, #tpu.memory_space<vmem>>, vector<1x1x16xf32>,
        %swap3A_456 = vector.shape_cast %swap3A_455 : vector<1x1x16xf32> to vector<16xf32>
        %swap3A_457 = vector.shape_cast %add3A_450 : vector<16xf32> to vector<1x1x16xf32>
        tpu.vector_store %arg9[%swap3A_452, %swap3A_453, %swap3A_454], %swap3A_457 {strides = array<i32>} : memref<5x80x64xf32, #tpu.memory_space<vmem>>, vector<1x1x16xf32>,
        %get3A_458 = arith.constant 0 : i32
        %get3A_459 = arith.index_cast %get3A_458 : i32 to index
        %get3A_460 = arith.index_cast %scan3A_402 : i32 to index
        %get3A_461 = arith.constant 48 : index
        %get3A_462 = tpu.vector_load %arg8[%get3A_459, %get3A_460, %get3A_461] {strides = array<i32>} : memref<5x80x64xf32, #tpu.memory_space<vmem>>, vector<1x1x16xf32>,
        %get3A_463 = vector.shape_cast %get3A_462 : vector<1x1x16xf32> to vector<16xf32>
        %add3A_464 = arith.addi %rem3A_161, %scan3A_402 : i32
        %get3A_465 = arith.index_cast %add3A_464 : i32 to index
        %get3A_466 = arith.constant 48 : index
        %get3A_467 = tpu.vector_load %arg7[%get3A_465, %get3A_466] {strides = array<i32>} : memref<400x64xf32, #tpu.memory_space<vmem>>, vector<1x16xf32>,
        %get3A_468 = vector.shape_cast %get3A_467 : vector<1x16xf32> to vector<16xf32>
        %add3A_469 = arith.addf %get3A_463, %get3A_468 : vector<16xf32>
        %swap3A_470 = arith.constant 0 : i32
        %swap3A_471 = arith.index_cast %swap3A_470 : i32 to index
        %swap3A_472 = arith.index_cast %scan3A_402 : i32 to index
        %swap3A_473 = arith.constant 48 : index
        %swap3A_474 = tpu.vector_load %arg9[%swap3A_471, %swap3A_472, %swap3A_473] {strides = array<i32>} : memref<5x80x64xf32, #tpu.memory_space<vmem>>, vector<1x1x16xf32>,
        %swap3A_475 = vector.shape_cast %swap3A_474 : vector<1x1x16xf32> to vector<16xf32>
        %swap3A_476 = vector.shape_cast %add3A_469 : vector<16xf32> to vector<1x1x16xf32>
        tpu.vector_store %arg9[%swap3A_471, %swap3A_472, %swap3A_473], %swap3A_476 {strides = array<i32>} : memref<5x80x64xf32, #tpu.memory_space<vmem>>, vector<1x1x16xf32>,
      }
      %scan3A_167 = arith.constant 80 : i32
      %add3A_168 = arith.constant 5 : i32
      %add3A_169 = arith.addi %add3A_145, %add3A_168 : i32
      %lt3A = arith.constant 100 : i32
      %lt3A_170 = arith.cmpi slt, %add3A_169, %lt3A : i32
      %convert_element_type3A_171 = arith.extui %lt3A_170 : i1 to i32
      %cond3A_172 = arith.constant 0 : i32
      %cond3A_173 = arith.cmpi ne, %convert_element_type3A_171, %cond3A_172 : i32
      scf.if %cond3A_173 {
        %add3A_402 = arith.constant 5 : i32
        %add3A_403 = arith.addi %add3A_145, %add3A_402 : i32
        %dma_start3A_404 = arith.constant 0 : i32
        %dma_start3A_405 = arith.constant 0 : i32
        %dma_start3A_406 = arith.constant 0 : i32
        %dma_start3A_407 = tpu.memref_slice %arg8[%dma_start3A_404, %dma_start3A_405, %dma_start3A_406] : memref<5x80x64xf32, #tpu.memory_space<vmem>> -> memref<1x80x64xf32, #tpu.memory_space<vmem>>
        %dma_start3A_408 = tpu.memref_squeeze %dma_start3A_407 : memref<1x80x64xf32, #tpu.memory_space<vmem>> -> memref<80x64xf32, #tpu.memory_space<vmem>>
        %dma_start3A_409 = arith.constant 0 : i32
        %dma_start3A_410 = tpu.memref_slice %arg6[%add3A_403, %dma_start3A_409] : memref<100x80xi32, #tpu.memory_space<vmem>> -> memref<1x80xi32, #tpu.memory_space<vmem>>
        %dma_start3A_411 = tpu.memref_squeeze %dma_start3A_410 : memref<1x80xi32, #tpu.memory_space<vmem>> -> memref<80xi32, #tpu.memory_space<vmem>>
        %dma_start3A_412 = arith.constant 0 : i32
        %dma_start3A_413 = arith.constant 0 : i32
        %dma_start3A_414 = tpu.memref_slice %arg4[%dma_start3A_412, %dma_start3A_413] : memref<1000000x64xf32, #tpu.memory_space<hbm>> -> memref<1000000x64xf32, #tpu.memory_space<hbm>>
        tpu.enqueue_indirect_dma source(%dma_start3A_414 : memref<1000000x64xf32, #tpu.memory_space<hbm>>) target(%dma_start3A_408 : memref<80x64xf32, #tpu.memory_space<vmem>>) offsets(%dma_start3A_411 : memref<80xi32, #tpu.memory_space<vmem>>) semaphore(%arg10 : memref<!tpu.dma_semaphore, #tpu.memory_space<semaphore_mem>>)
      } else {
      }
      %mul3A_174 = arith.constant 80 : i32
      %mul3A_175 = arith.muli %add3A_145, %mul3A_174 : i32
      %add3A_176 = arith.addi %mul3A_2, %mul3A_175 : i32
      %dma_start3A_177 = arith.constant 0 : i32
      %dma_start3A_178 = arith.constant 0 : i32
      %dma_start3A_179 = arith.constant 0 : i32
      %dma_start3A_180 = tpu.memref_slice %arg9[%dma_start3A_177, %dma_start3A_178, %dma_start3A_179] : memref<5x80x64xf32, #tpu.memory_space<vmem>> -> memref<1x80x64xf32, #tpu.memory_space<vmem>>
      %dma_start3A_181 = tpu.memref_squeeze %dma_start3A_180 : memref<1x80x64xf32, #tpu.memory_space<vmem>> -> memref<80x64xf32, #tpu.memory_space<vmem>>
      %dma_start3A_182 = arith.constant 0 : i32
      %dma_start3A_183 = tpu.memref_slice %arg5[%add3A_176, %dma_start3A_182] : memref<256000x64xf32, #tpu.memory_space<hbm>> -> memref<80x64xf32, #tpu.memory_space<hbm>>
      %dma_start3A_184 = arith.constant 0 : i32
      %dma_start3A_185 = tpu.memref_slice %arg5[%add3A_176, %dma_start3A_184] : memref<256000x64xf32, #tpu.memory_space<hbm>> -> memref<80x64xf32, #tpu.memory_space<hbm>>
      %dma_start3A_186 = arith.constant 0 : i32
      %dma_start3A_187 = arith.constant 0 : i32
      %dma_start3A_188 = tpu.memref_slice %arg9[%dma_start3A_177, %dma_start3A_186, %dma_start3A_187] : memref<5x80x64xf32, #tpu.memory_space<vmem>> -> memref<1x80x64xf32, #tpu.memory_space<vmem>>
      %dma_start3A_189 = tpu.memref_squeeze %dma_start3A_188 : memref<1x80x64xf32, #tpu.memory_space<vmem>> -> memref<80x64xf32, #tpu.memory_space<vmem>>
      tpu.enqueue_dma source(%dma_start3A_189 : memref<80x64xf32, #tpu.memory_space<vmem>>) target(%dma_start3A_185 : memref<80x64xf32, #tpu.memory_space<hbm>>) target_semaphore(%arg15 : memref<!tpu.dma_semaphore, #tpu.memory_space<semaphore_mem>>)
      %mul3A_190 = arith.constant 5 : i32
      %mul3A_191 = arith.muli %scan3A_141, %mul3A_190 : i32
      %add3A_192 = arith.constant 1 : i32
      %add3A_193 = arith.addi %mul3A_191, %add3A_192 : i32
      %dma_wait3A_194 = arith.constant 1 : i32
      %dma_wait3A_195 = arith.constant 0 : i32
      %dma_wait3A_196 = arith.constant 0 : i32
      %dma_wait3A_197 = tpu.memref_slice %arg8[%dma_wait3A_194, %dma_wait3A_195, %dma_wait3A_196] : memref<5x80x64xf32, #tpu.memory_space<vmem>> -> memref<1x80x64xf32, #tpu.memory_space<vmem>>
      %dma_wait3A_198 = tpu.memref_squeeze %dma_wait3A_197 : memref<1x80x64xf32, #tpu.memory_space<vmem>> -> memref<80x64xf32, #tpu.memory_space<vmem>>
      %dma_wait3A_199 = arith.constant 0 : i32
      %dma_wait3A_200 = tpu.memref_slice %arg6[%add3A_193, %dma_wait3A_199] : memref<100x80xi32, #tpu.memory_space<vmem>> -> memref<1x80xi32, #tpu.memory_space<vmem>>
      %dma_wait3A_201 = tpu.memref_squeeze %dma_wait3A_200 : memref<1x80xi32, #tpu.memory_space<vmem>> -> memref<80xi32, #tpu.memory_space<vmem>>
      %dma_wait3A_202 = arith.constant 0 : i32
      %dma_wait3A_203 = arith.constant 0 : i32
      %dma_wait3A_204 = tpu.memref_slice %arg4[%dma_wait3A_202, %dma_wait3A_203] : memref<1000000x64xf32, #tpu.memory_space<hbm>> -> memref<1000000x64xf32, #tpu.memory_space<hbm>>
      tpu.wait_indirect_dma semaphore(%arg11 : memref<!tpu.dma_semaphore, #tpu.memory_space<semaphore_mem>>) src(%dma_wait3A_204 : memref<1000000x64xf32, #tpu.memory_space<hbm>>) dst(%dma_wait3A_198 : memref<80x64xf32, #tpu.memory_space<vmem>>)
      %gt3A_205 = arith.constant 0 : i32
      %gt3A_206 = arith.cmpi sgt, %scan3A_141, %gt3A_205 : i32
      %convert_element_type3A_207 = arith.extui %gt3A_206 : i1 to i32
      %cond3A_208 = arith.constant 0 : i32
      %cond3A_209 = arith.cmpi ne, %convert_element_type3A_207, %cond3A_208 : i32
      scf.if %cond3A_209 {
        %sub3A = arith.constant 5 : i32
        %sub3A_402 = arith.subi %add3A_193, %sub3A : i32
        %mul3A_403 = arith.constant 80 : i32
        %mul3A_404 = arith.muli %sub3A_402, %mul3A_403 : i32
        %add3A_405 = arith.addi %mul3A_2, %mul3A_404 : i32
        %dma_wait3A_406 = arith.constant 1 : i32
        %dma_wait3A_407 = arith.constant 0 : i32
        %dma_wait3A_408 = arith.constant 0 : i32
        %dma_wait3A_409 = tpu.memref_slice %arg9[%dma_wait3A_406, %dma_wait3A_407, %dma_wait3A_408] : memref<5x80x64xf32, #tpu.memory_space<vmem>> -> memref<1x80x64xf32, #tpu.memory_space<vmem>>
        %dma_wait3A_410 = tpu.memref_squeeze %dma_wait3A_409 : memref<1x80x64xf32, #tpu.memory_space<vmem>> -> memref<80x64xf32, #tpu.memory_space<vmem>>
        %dma_wait3A_411 = arith.constant 0 : i32
        %dma_wait3A_412 = tpu.memref_slice %arg5[%add3A_405, %dma_wait3A_411] : memref<256000x64xf32, #tpu.memory_space<hbm>> -> memref<80x64xf32, #tpu.memory_space<hbm>>
        %dma_wait3A_413 = arith.constant 0 : i32
        %dma_wait3A_414 = tpu.memref_slice %arg5[%add3A_405, %dma_wait3A_413] : memref<256000x64xf32, #tpu.memory_space<hbm>> -> memref<80x64xf32, #tpu.memory_space<hbm>>
        %dma_wait3A_415 = arith.constant 0 : i32
        %dma_wait3A_416 = arith.constant 0 : i32
        %dma_wait3A_417 = tpu.memref_slice %arg9[%dma_wait3A_406, %dma_wait3A_415, %dma_wait3A_416] : memref<5x80x64xf32, #tpu.memory_space<vmem>> -> memref<1x80x64xf32, #tpu.memory_space<vmem>>
        %dma_wait3A_418 = tpu.memref_squeeze %dma_wait3A_417 : memref<1x80x64xf32, #tpu.memory_space<vmem>> -> memref<80x64xf32, #tpu.memory_space<vmem>>
        tpu.wait_dma2 semaphore(%arg16 : memref<!tpu.dma_semaphore, #tpu.memory_space<semaphore_mem>>) src(%dma_wait3A_418 : memref<80x64xf32, #tpu.memory_space<vmem>>) dst(%dma_wait3A_414 : memref<80x64xf32, #tpu.memory_space<hbm>>)
      } else {
      }
      %mul3A_210 = arith.constant 80 : i32
      %mul3A_211 = arith.muli %add3A_193, %mul3A_210 : i32
      %rem3A_212 = arith.constant 250 : i32
      %rem3A_213 = arith.remsi %mul3A_211, %rem3A_212 : i32
      %scan3A_214 = arith.constant 0 : i32
      %scan3A_215 = arith.constant 0 : i32
      %scan3A_216 = arith.constant 80 : i32
      %scan3A_217 = arith.addi %scan3A_215, %scan3A_216 : i32
      %scan3A_218 = arith.constant 1 : i32
      scf.for %scan3A_402 = %scan3A_215 to %scan3A_217 step %scan3A_218  : i32 {
        %get3A = arith.constant 1 : i32
        %get3A_403 = arith.index_cast %get3A : i32 to index
        %get3A_404 = arith.index_cast %scan3A_402 : i32 to index
        %get3A_405 = arith.constant 0 : index
        %get3A_406 = tpu.vector_load %arg8[%get3A_403, %get3A_404, %get3A_405] {strides = array<i32>} : memref<5x80x64xf32, #tpu.memory_space<vmem>>, vector<1x1x16xf32>,
        %get3A_407 = vector.shape_cast %get3A_406 : vector<1x1x16xf32> to vector<16xf32>
        %add3A_408 = arith.addi %rem3A_213, %scan3A_402 : i32
        %get3A_409 = arith.index_cast %add3A_408 : i32 to index
        %get3A_410 = arith.constant 0 : index
        %get3A_411 = tpu.vector_load %arg7[%get3A_409, %get3A_410] {strides = array<i32>} : memref<400x64xf32, #tpu.memory_space<vmem>>, vector<1x16xf32>,
        %get3A_412 = vector.shape_cast %get3A_411 : vector<1x16xf32> to vector<16xf32>
        %add3A_413 = arith.addf %get3A_407, %get3A_412 : vector<16xf32>
        %swap3A = arith.constant 1 : i32
        %swap3A_414 = arith.index_cast %swap3A : i32 to index
        %swap3A_415 = arith.index_cast %scan3A_402 : i32 to index
        %swap3A_416 = arith.constant 0 : index
        %swap3A_417 = tpu.vector_load %arg9[%swap3A_414, %swap3A_415, %swap3A_416] {strides = array<i32>} : memref<5x80x64xf32, #tpu.memory_space<vmem>>, vector<1x1x16xf32>,
        %swap3A_418 = vector.shape_cast %swap3A_417 : vector<1x1x16xf32> to vector<16xf32>
        %swap3A_419 = vector.shape_cast %add3A_413 : vector<16xf32> to vector<1x1x16xf32>
        tpu.vector_store %arg9[%swap3A_414, %swap3A_415, %swap3A_416], %swap3A_419 {strides = array<i32>} : memref<5x80x64xf32, #tpu.memory_space<vmem>>, vector<1x1x16xf32>,
        %get3A_420 = arith.constant 1 : i32
        %get3A_421 = arith.index_cast %get3A_420 : i32 to index
        %get3A_422 = arith.index_cast %scan3A_402 : i32 to index
        %get3A_423 = arith.constant 16 : index
        %get3A_424 = tpu.vector_load %arg8[%get3A_421, %get3A_422, %get3A_423] {strides = array<i32>} : memref<5x80x64xf32, #tpu.memory_space<vmem>>, vector<1x1x16xf32>,
        %get3A_425 = vector.shape_cast %get3A_424 : vector<1x1x16xf32> to vector<16xf32>
        %add3A_426 = arith.addi %rem3A_213, %scan3A_402 : i32
        %get3A_427 = arith.index_cast %add3A_426 : i32 to index
        %get3A_428 = arith.constant 16 : index
        %get3A_429 = tpu.vector_load %arg7[%get3A_427, %get3A_428] {strides = array<i32>} : memref<400x64xf32, #tpu.memory_space<vmem>>, vector<1x16xf32>,
        %get3A_430 = vector.shape_cast %get3A_429 : vector<1x16xf32> to vector<16xf32>
        %add3A_431 = arith.addf %get3A_425, %get3A_430 : vector<16xf32>
        %swap3A_432 = arith.constant 1 : i32
        %swap3A_433 = arith.index_cast %swap3A_432 : i32 to index
        %swap3A_434 = arith.index_cast %scan3A_402 : i32 to index
        %swap3A_435 = arith.constant 16 : index
        %swap3A_436 = tpu.vector_load %arg9[%swap3A_433, %swap3A_434, %swap3A_435] {strides = array<i32>} : memref<5x80x64xf32, #tpu.memory_space<vmem>>, vector<1x1x16xf32>,
        %swap3A_437 = vector.shape_cast %swap3A_436 : vector<1x1x16xf32> to vector<16xf32>
        %swap3A_438 = vector.shape_cast %add3A_431 : vector<16xf32> to vector<1x1x16xf32>
        tpu.vector_store %arg9[%swap3A_433, %swap3A_434, %swap3A_435], %swap3A_438 {strides = array<i32>} : memref<5x80x64xf32, #tpu.memory_space<vmem>>, vector<1x1x16xf32>,
        %get3A_439 = arith.constant 1 : i32
        %get3A_440 = arith.index_cast %get3A_439 : i32 to index
        %get3A_441 = arith.index_cast %scan3A_402 : i32 to index
        %get3A_442 = arith.constant 32 : index
        %get3A_443 = tpu.vector_load %arg8[%get3A_440, %get3A_441, %get3A_442] {strides = array<i32>} : memref<5x80x64xf32, #tpu.memory_space<vmem>>, vector<1x1x16xf32>,
        %get3A_444 = vector.shape_cast %get3A_443 : vector<1x1x16xf32> to vector<16xf32>
        %add3A_445 = arith.addi %rem3A_213, %scan3A_402 : i32
        %get3A_446 = arith.index_cast %add3A_445 : i32 to index
        %get3A_447 = arith.constant 32 : index
        %get3A_448 = tpu.vector_load %arg7[%get3A_446, %get3A_447] {strides = array<i32>} : memref<400x64xf32, #tpu.memory_space<vmem>>, vector<1x16xf32>,
        %get3A_449 = vector.shape_cast %get3A_448 : vector<1x16xf32> to vector<16xf32>
        %add3A_450 = arith.addf %get3A_444, %get3A_449 : vector<16xf32>
        %swap3A_451 = arith.constant 1 : i32
        %swap3A_452 = arith.index_cast %swap3A_451 : i32 to index
        %swap3A_453 = arith.index_cast %scan3A_402 : i32 to index
        %swap3A_454 = arith.constant 32 : index
        %swap3A_455 = tpu.vector_load %arg9[%swap3A_452, %swap3A_453, %swap3A_454] {strides = array<i32>} : memref<5x80x64xf32, #tpu.memory_space<vmem>>, vector<1x1x16xf32>,
        %swap3A_456 = vector.shape_cast %swap3A_455 : vector<1x1x16xf32> to vector<16xf32>
        %swap3A_457 = vector.shape_cast %add3A_450 : vector<16xf32> to vector<1x1x16xf32>
        tpu.vector_store %arg9[%swap3A_452, %swap3A_453, %swap3A_454], %swap3A_457 {strides = array<i32>} : memref<5x80x64xf32, #tpu.memory_space<vmem>>, vector<1x1x16xf32>,
        %get3A_458 = arith.constant 1 : i32
        %get3A_459 = arith.index_cast %get3A_458 : i32 to index
        %get3A_460 = arith.index_cast %scan3A_402 : i32 to index
        %get3A_461 = arith.constant 48 : index
        %get3A_462 = tpu.vector_load %arg8[%get3A_459, %get3A_460, %get3A_461] {strides = array<i32>} : memref<5x80x64xf32, #tpu.memory_space<vmem>>, vector<1x1x16xf32>,
        %get3A_463 = vector.shape_cast %get3A_462 : vector<1x1x16xf32> to vector<16xf32>
        %add3A_464 = arith.addi %rem3A_213, %scan3A_402 : i32
        %get3A_465 = arith.index_cast %add3A_464 : i32 to index
        %get3A_466 = arith.constant 48 : index
        %get3A_467 = tpu.vector_load %arg7[%get3A_465, %get3A_466] {strides = array<i32>} : memref<400x64xf32, #tpu.memory_space<vmem>>, vector<1x16xf32>,
        %get3A_468 = vector.shape_cast %get3A_467 : vector<1x16xf32> to vector<16xf32>
        %add3A_469 = arith.addf %get3A_463, %get3A_468 : vector<16xf32>
        %swap3A_470 = arith.constant 1 : i32
        %swap3A_471 = arith.index_cast %swap3A_470 : i32 to index
        %swap3A_472 = arith.index_cast %scan3A_402 : i32 to index
        %swap3A_473 = arith.constant 48 : index
        %swap3A_474 = tpu.vector_load %arg9[%swap3A_471, %swap3A_472, %swap3A_473] {strides = array<i32>} : memref<5x80x64xf32, #tpu.memory_space<vmem>>, vector<1x1x16xf32>,
        %swap3A_475 = vector.shape_cast %swap3A_474 : vector<1x1x16xf32> to vector<16xf32>
        %swap3A_476 = vector.shape_cast %add3A_469 : vector<16xf32> to vector<1x1x16xf32>
        tpu.vector_store %arg9[%swap3A_471, %swap3A_472, %swap3A_473], %swap3A_476 {strides = array<i32>} : memref<5x80x64xf32, #tpu.memory_space<vmem>>, vector<1x1x16xf32>,
      }
      %scan3A_219 = arith.constant 80 : i32
      %add3A_220 = arith.constant 5 : i32
      %add3A_221 = arith.addi %add3A_193, %add3A_220 : i32
      %lt3A_222 = arith.constant 100 : i32
      %lt3A_223 = arith.cmpi slt, %add3A_221, %lt3A_222 : i32
      %convert_element_type3A_224 = arith.extui %lt3A_223 : i1 to i32
      %cond3A_225 = arith.constant 0 : i32
      %cond3A_226 = arith.cmpi ne, %convert_element_type3A_224, %cond3A_225 : i32
      scf.if %cond3A_226 {
        %add3A_402 = arith.constant 5 : i32
        %add3A_403 = arith.addi %add3A_193, %add3A_402 : i32
        %dma_start3A_404 = arith.constant 1 : i32
        %dma_start3A_405 = arith.constant 0 : i32
        %dma_start3A_406 = arith.constant 0 : i32
        %dma_start3A_407 = tpu.memref_slice %arg8[%dma_start3A_404, %dma_start3A_405, %dma_start3A_406] : memref<5x80x64xf32, #tpu.memory_space<vmem>> -> memref<1x80x64xf32, #tpu.memory_space<vmem>>
        %dma_start3A_408 = tpu.memref_squeeze %dma_start3A_407 : memref<1x80x64xf32, #tpu.memory_space<vmem>> -> memref<80x64xf32, #tpu.memory_space<vmem>>
        %dma_start3A_409 = arith.constant 0 : i32
        %dma_start3A_410 = tpu.memref_slice %arg6[%add3A_403, %dma_start3A_409] : memref<100x80xi32, #tpu.memory_space<vmem>> -> memref<1x80xi32, #tpu.memory_space<vmem>>
        %dma_start3A_411 = tpu.memref_squeeze %dma_start3A_410 : memref<1x80xi32, #tpu.memory_space<vmem>> -> memref<80xi32, #tpu.memory_space<vmem>>
        %dma_start3A_412 = arith.constant 0 : i32
        %dma_start3A_413 = arith.constant 0 : i32
        %dma_start3A_414 = tpu.memref_slice %arg4[%dma_start3A_412, %dma_start3A_413] : memref<1000000x64xf32, #tpu.memory_space<hbm>> -> memref<1000000x64xf32, #tpu.memory_space<hbm>>
        tpu.enqueue_indirect_dma source(%dma_start3A_414 : memref<1000000x64xf32, #tpu.memory_space<hbm>>) target(%dma_start3A_408 : memref<80x64xf32, #tpu.memory_space<vmem>>) offsets(%dma_start3A_411 : memref<80xi32, #tpu.memory_space<vmem>>) semaphore(%arg11 : memref<!tpu.dma_semaphore, #tpu.memory_space<semaphore_mem>>)
      } else {
      }
      %mul3A_227 = arith.constant 80 : i32
      %mul3A_228 = arith.muli %add3A_193, %mul3A_227 : i32
      %add3A_229 = arith.addi %mul3A_2, %mul3A_228 : i32
      %dma_start3A_230 = arith.constant 1 : i32
      %dma_start3A_231 = arith.constant 0 : i32
      %dma_start3A_232 = arith.constant 0 : i32
      %dma_start3A_233 = tpu.memref_slice %arg9[%dma_start3A_230, %dma_start3A_231, %dma_start3A_232] : memref<5x80x64xf32, #tpu.memory_space<vmem>> -> memref<1x80x64xf32, #tpu.memory_space<vmem>>
      %dma_start3A_234 = tpu.memref_squeeze %dma_start3A_233 : memref<1x80x64xf32, #tpu.memory_space<vmem>> -> memref<80x64xf32, #tpu.memory_space<vmem>>
      %dma_start3A_235 = arith.constant 0 : i32
      %dma_start3A_236 = tpu.memref_slice %arg5[%add3A_229, %dma_start3A_235] : memref<256000x64xf32, #tpu.memory_space<hbm>> -> memref<80x64xf32, #tpu.memory_space<hbm>>
      %dma_start3A_237 = arith.constant 0 : i32
      %dma_start3A_238 = tpu.memref_slice %arg5[%add3A_229, %dma_start3A_237] : memref<256000x64xf32, #tpu.memory_space<hbm>> -> memref<80x64xf32, #tpu.memory_space<hbm>>
      %dma_start3A_239 = arith.constant 0 : i32
      %dma_start3A_240 = arith.constant 0 : i32
      %dma_start3A_241 = tpu.memref_slice %arg9[%dma_start3A_230, %dma_start3A_239, %dma_start3A_240] : memref<5x80x64xf32, #tpu.memory_space<vmem>> -> memref<1x80x64xf32, #tpu.memory_space<vmem>>
      %dma_start3A_242 = tpu.memref_squeeze %dma_start3A_241 : memref<1x80x64xf32, #tpu.memory_space<vmem>> -> memref<80x64xf32, #tpu.memory_space<vmem>>
      tpu.enqueue_dma source(%dma_start3A_242 : memref<80x64xf32, #tpu.memory_space<vmem>>) target(%dma_start3A_238 : memref<80x64xf32, #tpu.memory_space<hbm>>) target_semaphore(%arg16 : memref<!tpu.dma_semaphore, #tpu.memory_space<semaphore_mem>>)
      %mul3A_243 = arith.constant 5 : i32
      %mul3A_244 = arith.muli %scan3A_141, %mul3A_243 : i32
      %add3A_245 = arith.constant 2 : i32
      %add3A_246 = arith.addi %mul3A_244, %add3A_245 : i32
      %dma_wait3A_247 = arith.constant 2 : i32
      %dma_wait3A_248 = arith.constant 0 : i32
      %dma_wait3A_249 = arith.constant 0 : i32
      %dma_wait3A_250 = tpu.memref_slice %arg8[%dma_wait3A_247, %dma_wait3A_248, %dma_wait3A_249] : memref<5x80x64xf32, #tpu.memory_space<vmem>> -> memref<1x80x64xf32, #tpu.memory_space<vmem>>
      %dma_wait3A_251 = tpu.memref_squeeze %dma_wait3A_250 : memref<1x80x64xf32, #tpu.memory_space<vmem>> -> memref<80x64xf32, #tpu.memory_space<vmem>>
      %dma_wait3A_252 = arith.constant 0 : i32
      %dma_wait3A_253 = tpu.memref_slice %arg6[%add3A_246, %dma_wait3A_252] : memref<100x80xi32, #tpu.memory_space<vmem>> -> memref<1x80xi32, #tpu.memory_space<vmem>>
      %dma_wait3A_254 = tpu.memref_squeeze %dma_wait3A_253 : memref<1x80xi32, #tpu.memory_space<vmem>> -> memref<80xi32, #tpu.memory_space<vmem>>
      %dma_wait3A_255 = arith.constant 0 : i32
      %dma_wait3A_256 = arith.constant 0 : i32
      %dma_wait3A_257 = tpu.memref_slice %arg4[%dma_wait3A_255, %dma_wait3A_256] : memref<1000000x64xf32, #tpu.memory_space<hbm>> -> memref<1000000x64xf32, #tpu.memory_space<hbm>>
      tpu.wait_indirect_dma semaphore(%arg12 : memref<!tpu.dma_semaphore, #tpu.memory_space<semaphore_mem>>) src(%dma_wait3A_257 : memref<1000000x64xf32, #tpu.memory_space<hbm>>) dst(%dma_wait3A_251 : memref<80x64xf32, #tpu.memory_space<vmem>>)
      %gt3A_258 = arith.constant 0 : i32
      %gt3A_259 = arith.cmpi sgt, %scan3A_141, %gt3A_258 : i32
      %convert_element_type3A_260 = arith.extui %gt3A_259 : i1 to i32
      %cond3A_261 = arith.constant 0 : i32
      %cond3A_262 = arith.cmpi ne, %convert_element_type3A_260, %cond3A_261 : i32
      scf.if %cond3A_262 {
        %sub3A = arith.constant 5 : i32
        %sub3A_402 = arith.subi %add3A_246, %sub3A : i32
        %mul3A_403 = arith.constant 80 : i32
        %mul3A_404 = arith.muli %sub3A_402, %mul3A_403 : i32
        %add3A_405 = arith.addi %mul3A_2, %mul3A_404 : i32
        %dma_wait3A_406 = arith.constant 2 : i32
        %dma_wait3A_407 = arith.constant 0 : i32
        %dma_wait3A_408 = arith.constant 0 : i32
        %dma_wait3A_409 = tpu.memref_slice %arg9[%dma_wait3A_406, %dma_wait3A_407, %dma_wait3A_408] : memref<5x80x64xf32, #tpu.memory_space<vmem>> -> memref<1x80x64xf32, #tpu.memory_space<vmem>>
        %dma_wait3A_410 = tpu.memref_squeeze %dma_wait3A_409 : memref<1x80x64xf32, #tpu.memory_space<vmem>> -> memref<80x64xf32, #tpu.memory_space<vmem>>
        %dma_wait3A_411 = arith.constant 0 : i32
        %dma_wait3A_412 = tpu.memref_slice %arg5[%add3A_405, %dma_wait3A_411] : memref<256000x64xf32, #tpu.memory_space<hbm>> -> memref<80x64xf32, #tpu.memory_space<hbm>>
        %dma_wait3A_413 = arith.constant 0 : i32
        %dma_wait3A_414 = tpu.memref_slice %arg5[%add3A_405, %dma_wait3A_413] : memref<256000x64xf32, #tpu.memory_space<hbm>> -> memref<80x64xf32, #tpu.memory_space<hbm>>
        %dma_wait3A_415 = arith.constant 0 : i32
        %dma_wait3A_416 = arith.constant 0 : i32
        %dma_wait3A_417 = tpu.memref_slice %arg9[%dma_wait3A_406, %dma_wait3A_415, %dma_wait3A_416] : memref<5x80x64xf32, #tpu.memory_space<vmem>> -> memref<1x80x64xf32, #tpu.memory_space<vmem>>
        %dma_wait3A_418 = tpu.memref_squeeze %dma_wait3A_417 : memref<1x80x64xf32, #tpu.memory_space<vmem>> -> memref<80x64xf32, #tpu.memory_space<vmem>>
        tpu.wait_dma2 semaphore(%arg17 : memref<!tpu.dma_semaphore, #tpu.memory_space<semaphore_mem>>) src(%dma_wait3A_418 : memref<80x64xf32, #tpu.memory_space<vmem>>) dst(%dma_wait3A_414 : memref<80x64xf32, #tpu.memory_space<hbm>>)
      } else {
      }
      %mul3A_263 = arith.constant 80 : i32
      %mul3A_264 = arith.muli %add3A_246, %mul3A_263 : i32
      %rem3A_265 = arith.constant 250 : i32
      %rem3A_266 = arith.remsi %mul3A_264, %rem3A_265 : i32
      %scan3A_267 = arith.constant 0 : i32
      %scan3A_268 = arith.constant 0 : i32
      %scan3A_269 = arith.constant 80 : i32
      %scan3A_270 = arith.addi %scan3A_268, %scan3A_269 : i32
      %scan3A_271 = arith.constant 1 : i32
      scf.for %scan3A_402 = %scan3A_268 to %scan3A_270 step %scan3A_271  : i32 {
        %get3A = arith.constant 2 : i32
        %get3A_403 = arith.index_cast %get3A : i32 to index
        %get3A_404 = arith.index_cast %scan3A_402 : i32 to index
        %get3A_405 = arith.constant 0 : index
        %get3A_406 = tpu.vector_load %arg8[%get3A_403, %get3A_404, %get3A_405] {strides = array<i32>} : memref<5x80x64xf32, #tpu.memory_space<vmem>>, vector<1x1x16xf32>,
        %get3A_407 = vector.shape_cast %get3A_406 : vector<1x1x16xf32> to vector<16xf32>
        %add3A_408 = arith.addi %rem3A_266, %scan3A_402 : i32
        %get3A_409 = arith.index_cast %add3A_408 : i32 to index
        %get3A_410 = arith.constant 0 : index
        %get3A_411 = tpu.vector_load %arg7[%get3A_409, %get3A_410] {strides = array<i32>} : memref<400x64xf32, #tpu.memory_space<vmem>>, vector<1x16xf32>,
        %get3A_412 = vector.shape_cast %get3A_411 : vector<1x16xf32> to vector<16xf32>
        %add3A_413 = arith.addf %get3A_407, %get3A_412 : vector<16xf32>
        %swap3A = arith.constant 2 : i32
        %swap3A_414 = arith.index_cast %swap3A : i32 to index
        %swap3A_415 = arith.index_cast %scan3A_402 : i32 to index
        %swap3A_416 = arith.constant 0 : index
        %swap3A_417 = tpu.vector_load %arg9[%swap3A_414, %swap3A_415, %swap3A_416] {strides = array<i32>} : memref<5x80x64xf32, #tpu.memory_space<vmem>>, vector<1x1x16xf32>,
        %swap3A_418 = vector.shape_cast %swap3A_417 : vector<1x1x16xf32> to vector<16xf32>
        %swap3A_419 = vector.shape_cast %add3A_413 : vector<16xf32> to vector<1x1x16xf32>
        tpu.vector_store %arg9[%swap3A_414, %swap3A_415, %swap3A_416], %swap3A_419 {strides = array<i32>} : memref<5x80x64xf32, #tpu.memory_space<vmem>>, vector<1x1x16xf32>,
        %get3A_420 = arith.constant 2 : i32
        %get3A_421 = arith.index_cast %get3A_420 : i32 to index
        %get3A_422 = arith.index_cast %scan3A_402 : i32 to index
        %get3A_423 = arith.constant 16 : index
        %get3A_424 = tpu.vector_load %arg8[%get3A_421, %get3A_422, %get3A_423] {strides = array<i32>} : memref<5x80x64xf32, #tpu.memory_space<vmem>>, vector<1x1x16xf32>,
        %get3A_425 = vector.shape_cast %get3A_424 : vector<1x1x16xf32> to vector<16xf32>
        %add3A_426 = arith.addi %rem3A_266, %scan3A_402 : i32
        %get3A_427 = arith.index_cast %add3A_426 : i32 to index
        %get3A_428 = arith.constant 16 : index
        %get3A_429 = tpu.vector_load %arg7[%get3A_427, %get3A_428] {strides = array<i32>} : memref<400x64xf32, #tpu.memory_space<vmem>>, vector<1x16xf32>,
        %get3A_430 = vector.shape_cast %get3A_429 : vector<1x16xf32> to vector<16xf32>
        %add3A_431 = arith.addf %get3A_425, %get3A_430 : vector<16xf32>
        %swap3A_432 = arith.constant 2 : i32
        %swap3A_433 = arith.index_cast %swap3A_432 : i32 to index
        %swap3A_434 = arith.index_cast %scan3A_402 : i32 to index
        %swap3A_435 = arith.constant 16 : index
        %swap3A_436 = tpu.vector_load %arg9[%swap3A_433, %swap3A_434, %swap3A_435] {strides = array<i32>} : memref<5x80x64xf32, #tpu.memory_space<vmem>>, vector<1x1x16xf32>,
        %swap3A_437 = vector.shape_cast %swap3A_436 : vector<1x1x16xf32> to vector<16xf32>
        %swap3A_438 = vector.shape_cast %add3A_431 : vector<16xf32> to vector<1x1x16xf32>
        tpu.vector_store %arg9[%swap3A_433, %swap3A_434, %swap3A_435], %swap3A_438 {strides = array<i32>} : memref<5x80x64xf32, #tpu.memory_space<vmem>>, vector<1x1x16xf32>,
        %get3A_439 = arith.constant 2 : i32
        %get3A_440 = arith.index_cast %get3A_439 : i32 to index
        %get3A_441 = arith.index_cast %scan3A_402 : i32 to index
        %get3A_442 = arith.constant 32 : index
        %get3A_443 = tpu.vector_load %arg8[%get3A_440, %get3A_441, %get3A_442] {strides = array<i32>} : memref<5x80x64xf32, #tpu.memory_space<vmem>>, vector<1x1x16xf32>,
        %get3A_444 = vector.shape_cast %get3A_443 : vector<1x1x16xf32> to vector<16xf32>
        %add3A_445 = arith.addi %rem3A_266, %scan3A_402 : i32
        %get3A_446 = arith.index_cast %add3A_445 : i32 to index
        %get3A_447 = arith.constant 32 : index
        %get3A_448 = tpu.vector_load %arg7[%get3A_446, %get3A_447] {strides = array<i32>} : memref<400x64xf32, #tpu.memory_space<vmem>>, vector<1x16xf32>,
        %get3A_449 = vector.shape_cast %get3A_448 : vector<1x16xf32> to vector<16xf32>
        %add3A_450 = arith.addf %get3A_444, %get3A_449 : vector<16xf32>
        %swap3A_451 = arith.constant 2 : i32
        %swap3A_452 = arith.index_cast %swap3A_451 : i32 to index
        %swap3A_453 = arith.index_cast %scan3A_402 : i32 to index
        %swap3A_454 = arith.constant 32 : index
        %swap3A_455 = tpu.vector_load %arg9[%swap3A_452, %swap3A_453, %swap3A_454] {strides = array<i32>} : memref<5x80x64xf32, #tpu.memory_space<vmem>>, vector<1x1x16xf32>,
        %swap3A_456 = vector.shape_cast %swap3A_455 : vector<1x1x16xf32> to vector<16xf32>
        %swap3A_457 = vector.shape_cast %add3A_450 : vector<16xf32> to vector<1x1x16xf32>
        tpu.vector_store %arg9[%swap3A_452, %swap3A_453, %swap3A_454], %swap3A_457 {strides = array<i32>} : memref<5x80x64xf32, #tpu.memory_space<vmem>>, vector<1x1x16xf32>,
        %get3A_458 = arith.constant 2 : i32
        %get3A_459 = arith.index_cast %get3A_458 : i32 to index
        %get3A_460 = arith.index_cast %scan3A_402 : i32 to index
        %get3A_461 = arith.constant 48 : index
        %get3A_462 = tpu.vector_load %arg8[%get3A_459, %get3A_460, %get3A_461] {strides = array<i32>} : memref<5x80x64xf32, #tpu.memory_space<vmem>>, vector<1x1x16xf32>,
        %get3A_463 = vector.shape_cast %get3A_462 : vector<1x1x16xf32> to vector<16xf32>
        %add3A_464 = arith.addi %rem3A_266, %scan3A_402 : i32
        %get3A_465 = arith.index_cast %add3A_464 : i32 to index
        %get3A_466 = arith.constant 48 : index
        %get3A_467 = tpu.vector_load %arg7[%get3A_465, %get3A_466] {strides = array<i32>} : memref<400x64xf32, #tpu.memory_space<vmem>>, vector<1x16xf32>,
        %get3A_468 = vector.shape_cast %get3A_467 : vector<1x16xf32> to vector<16xf32>
        %add3A_469 = arith.addf %get3A_463, %get3A_468 : vector<16xf32>
        %swap3A_470 = arith.constant 2 : i32
        %swap3A_471 = arith.index_cast %swap3A_470 : i32 to index
        %swap3A_472 = arith.index_cast %scan3A_402 : i32 to index
        %swap3A_473 = arith.constant 48 : index
        %swap3A_474 = tpu.vector_load %arg9[%swap3A_471, %swap3A_472, %swap3A_473] {strides = array<i32>} : memref<5x80x64xf32, #tpu.memory_space<vmem>>, vector<1x1x16xf32>,
        %swap3A_475 = vector.shape_cast %swap3A_474 : vector<1x1x16xf32> to vector<16xf32>
        %swap3A_476 = vector.shape_cast %add3A_469 : vector<16xf32> to vector<1x1x16xf32>
        tpu.vector_store %arg9[%swap3A_471, %swap3A_472, %swap3A_473], %swap3A_476 {strides = array<i32>} : memref<5x80x64xf32, #tpu.memory_space<vmem>>, vector<1x1x16xf32>,
      }
      %scan3A_272 = arith.constant 80 : i32
      %add3A_273 = arith.constant 5 : i32
      %add3A_274 = arith.addi %add3A_246, %add3A_273 : i32
      %lt3A_275 = arith.constant 100 : i32
      %lt3A_276 = arith.cmpi slt, %add3A_274, %lt3A_275 : i32
      %convert_element_type3A_277 = arith.extui %lt3A_276 : i1 to i32
      %cond3A_278 = arith.constant 0 : i32
      %cond3A_279 = arith.cmpi ne, %convert_element_type3A_277, %cond3A_278 : i32
      scf.if %cond3A_279 {
        %add3A_402 = arith.constant 5 : i32
        %add3A_403 = arith.addi %add3A_246, %add3A_402 : i32
        %dma_start3A_404 = arith.constant 2 : i32
        %dma_start3A_405 = arith.constant 0 : i32
        %dma_start3A_406 = arith.constant 0 : i32
        %dma_start3A_407 = tpu.memref_slice %arg8[%dma_start3A_404, %dma_start3A_405, %dma_start3A_406] : memref<5x80x64xf32, #tpu.memory_space<vmem>> -> memref<1x80x64xf32, #tpu.memory_space<vmem>>
        %dma_start3A_408 = tpu.memref_squeeze %dma_start3A_407 : memref<1x80x64xf32, #tpu.memory_space<vmem>> -> memref<80x64xf32, #tpu.memory_space<vmem>>
        %dma_start3A_409 = arith.constant 0 : i32
        %dma_start3A_410 = tpu.memref_slice %arg6[%add3A_403, %dma_start3A_409] : memref<100x80xi32, #tpu.memory_space<vmem>> -> memref<1x80xi32, #tpu.memory_space<vmem>>
        %dma_start3A_411 = tpu.memref_squeeze %dma_start3A_410 : memref<1x80xi32, #tpu.memory_space<vmem>> -> memref<80xi32, #tpu.memory_space<vmem>>
        %dma_start3A_412 = arith.constant 0 : i32
        %dma_start3A_413 = arith.constant 0 : i32
        %dma_start3A_414 = tpu.memref_slice %arg4[%dma_start3A_412, %dma_start3A_413] : memref<1000000x64xf32, #tpu.memory_space<hbm>> -> memref<1000000x64xf32, #tpu.memory_space<hbm>>
        tpu.enqueue_indirect_dma source(%dma_start3A_414 : memref<1000000x64xf32, #tpu.memory_space<hbm>>) target(%dma_start3A_408 : memref<80x64xf32, #tpu.memory_space<vmem>>) offsets(%dma_start3A_411 : memref<80xi32, #tpu.memory_space<vmem>>) semaphore(%arg12 : memref<!tpu.dma_semaphore, #tpu.memory_space<semaphore_mem>>)
      } else {
      }
      %mul3A_280 = arith.constant 80 : i32
      %mul3A_281 = arith.muli %add3A_246, %mul3A_280 : i32
      %add3A_282 = arith.addi %mul3A_2, %mul3A_281 : i32
      %dma_start3A_283 = arith.constant 2 : i32
      %dma_start3A_284 = arith.constant 0 : i32
      %dma_start3A_285 = arith.constant 0 : i32
      %dma_start3A_286 = tpu.memref_slice %arg9[%dma_start3A_283, %dma_start3A_284, %dma_start3A_285] : memref<5x80x64xf32, #tpu.memory_space<vmem>> -> memref<1x80x64xf32, #tpu.memory_space<vmem>>
      %dma_start3A_287 = tpu.memref_squeeze %dma_start3A_286 : memref<1x80x64xf32, #tpu.memory_space<vmem>> -> memref<80x64xf32, #tpu.memory_space<vmem>>
      %dma_start3A_288 = arith.constant 0 : i32
      %dma_start3A_289 = tpu.memref_slice %arg5[%add3A_282, %dma_start3A_288] : memref<256000x64xf32, #tpu.memory_space<hbm>> -> memref<80x64xf32, #tpu.memory_space<hbm>>
      %dma_start3A_290 = arith.constant 0 : i32
      %dma_start3A_291 = tpu.memref_slice %arg5[%add3A_282, %dma_start3A_290] : memref<256000x64xf32, #tpu.memory_space<hbm>> -> memref<80x64xf32, #tpu.memory_space<hbm>>
      %dma_start3A_292 = arith.constant 0 : i32
      %dma_start3A_293 = arith.constant 0 : i32
      %dma_start3A_294 = tpu.memref_slice %arg9[%dma_start3A_283, %dma_start3A_292, %dma_start3A_293] : memref<5x80x64xf32, #tpu.memory_space<vmem>> -> memref<1x80x64xf32, #tpu.memory_space<vmem>>
      %dma_start3A_295 = tpu.memref_squeeze %dma_start3A_294 : memref<1x80x64xf32, #tpu.memory_space<vmem>> -> memref<80x64xf32, #tpu.memory_space<vmem>>
      tpu.enqueue_dma source(%dma_start3A_295 : memref<80x64xf32, #tpu.memory_space<vmem>>) target(%dma_start3A_291 : memref<80x64xf32, #tpu.memory_space<hbm>>) target_semaphore(%arg17 : memref<!tpu.dma_semaphore, #tpu.memory_space<semaphore_mem>>)
      %mul3A_296 = arith.constant 5 : i32
      %mul3A_297 = arith.muli %scan3A_141, %mul3A_296 : i32
      %add3A_298 = arith.constant 3 : i32
      %add3A_299 = arith.addi %mul3A_297, %add3A_298 : i32
      %dma_wait3A_300 = arith.constant 3 : i32
      %dma_wait3A_301 = arith.constant 0 : i32
      %dma_wait3A_302 = arith.constant 0 : i32
      %dma_wait3A_303 = tpu.memref_slice %arg8[%dma_wait3A_300, %dma_wait3A_301, %dma_wait3A_302] : memref<5x80x64xf32, #tpu.memory_space<vmem>> -> memref<1x80x64xf32, #tpu.memory_space<vmem>>
      %dma_wait3A_304 = tpu.memref_squeeze %dma_wait3A_303 : memref<1x80x64xf32, #tpu.memory_space<vmem>> -> memref<80x64xf32, #tpu.memory_space<vmem>>
      %dma_wait3A_305 = arith.constant 0 : i32
      %dma_wait3A_306 = tpu.memref_slice %arg6[%add3A_299, %dma_wait3A_305] : memref<100x80xi32, #tpu.memory_space<vmem>> -> memref<1x80xi32, #tpu.memory_space<vmem>>
      %dma_wait3A_307 = tpu.memref_squeeze %dma_wait3A_306 : memref<1x80xi32, #tpu.memory_space<vmem>> -> memref<80xi32, #tpu.memory_space<vmem>>
      %dma_wait3A_308 = arith.constant 0 : i32
      %dma_wait3A_309 = arith.constant 0 : i32
      %dma_wait3A_310 = tpu.memref_slice %arg4[%dma_wait3A_308, %dma_wait3A_309] : memref<1000000x64xf32, #tpu.memory_space<hbm>> -> memref<1000000x64xf32, #tpu.memory_space<hbm>>
      tpu.wait_indirect_dma semaphore(%arg13 : memref<!tpu.dma_semaphore, #tpu.memory_space<semaphore_mem>>) src(%dma_wait3A_310 : memref<1000000x64xf32, #tpu.memory_space<hbm>>) dst(%dma_wait3A_304 : memref<80x64xf32, #tpu.memory_space<vmem>>)
      %gt3A_311 = arith.constant 0 : i32
      %gt3A_312 = arith.cmpi sgt, %scan3A_141, %gt3A_311 : i32
      %convert_element_type3A_313 = arith.extui %gt3A_312 : i1 to i32
      %cond3A_314 = arith.constant 0 : i32
      %cond3A_315 = arith.cmpi ne, %convert_element_type3A_313, %cond3A_314 : i32
      scf.if %cond3A_315 {
        %sub3A = arith.constant 5 : i32
        %sub3A_402 = arith.subi %add3A_299, %sub3A : i32
        %mul3A_403 = arith.constant 80 : i32
        %mul3A_404 = arith.muli %sub3A_402, %mul3A_403 : i32
        %add3A_405 = arith.addi %mul3A_2, %mul3A_404 : i32
        %dma_wait3A_406 = arith.constant 3 : i32
        %dma_wait3A_407 = arith.constant 0 : i32
        %dma_wait3A_408 = arith.constant 0 : i32
        %dma_wait3A_409 = tpu.memref_slice %arg9[%dma_wait3A_406, %dma_wait3A_407, %dma_wait3A_408] : memref<5x80x64xf32, #tpu.memory_space<vmem>> -> memref<1x80x64xf32, #tpu.memory_space<vmem>>
        %dma_wait3A_410 = tpu.memref_squeeze %dma_wait3A_409 : memref<1x80x64xf32, #tpu.memory_space<vmem>> -> memref<80x64xf32, #tpu.memory_space<vmem>>
        %dma_wait3A_411 = arith.constant 0 : i32
        %dma_wait3A_412 = tpu.memref_slice %arg5[%add3A_405, %dma_wait3A_411] : memref<256000x64xf32, #tpu.memory_space<hbm>> -> memref<80x64xf32, #tpu.memory_space<hbm>>
        %dma_wait3A_413 = arith.constant 0 : i32
        %dma_wait3A_414 = tpu.memref_slice %arg5[%add3A_405, %dma_wait3A_413] : memref<256000x64xf32, #tpu.memory_space<hbm>> -> memref<80x64xf32, #tpu.memory_space<hbm>>
        %dma_wait3A_415 = arith.constant 0 : i32
        %dma_wait3A_416 = arith.constant 0 : i32
        %dma_wait3A_417 = tpu.memref_slice %arg9[%dma_wait3A_406, %dma_wait3A_415, %dma_wait3A_416] : memref<5x80x64xf32, #tpu.memory_space<vmem>> -> memref<1x80x64xf32, #tpu.memory_space<vmem>>
        %dma_wait3A_418 = tpu.memref_squeeze %dma_wait3A_417 : memref<1x80x64xf32, #tpu.memory_space<vmem>> -> memref<80x64xf32, #tpu.memory_space<vmem>>
        tpu.wait_dma2 semaphore(%arg18 : memref<!tpu.dma_semaphore, #tpu.memory_space<semaphore_mem>>) src(%dma_wait3A_418 : memref<80x64xf32, #tpu.memory_space<vmem>>) dst(%dma_wait3A_414 : memref<80x64xf32, #tpu.memory_space<hbm>>)
      } else {
      }
      %mul3A_316 = arith.constant 80 : i32
      %mul3A_317 = arith.muli %add3A_299, %mul3A_316 : i32
      %rem3A_318 = arith.constant 250 : i32
      %rem3A_319 = arith.remsi %mul3A_317, %rem3A_318 : i32
      %scan3A_320 = arith.constant 0 : i32
      %scan3A_321 = arith.constant 0 : i32
      %scan3A_322 = arith.constant 80 : i32
      %scan3A_323 = arith.addi %scan3A_321, %scan3A_322 : i32
      %scan3A_324 = arith.constant 1 : i32
      scf.for %scan3A_402 = %scan3A_321 to %scan3A_323 step %scan3A_324  : i32 {
        %get3A = arith.constant 3 : i32
        %get3A_403 = arith.index_cast %get3A : i32 to index
        %get3A_404 = arith.index_cast %scan3A_402 : i32 to index
        %get3A_405 = arith.constant 0 : index
        %get3A_406 = tpu.vector_load %arg8[%get3A_403, %get3A_404, %get3A_405] {strides = array<i32>} : memref<5x80x64xf32, #tpu.memory_space<vmem>>, vector<1x1x16xf32>,
        %get3A_407 = vector.shape_cast %get3A_406 : vector<1x1x16xf32> to vector<16xf32>
        %add3A_408 = arith.addi %rem3A_319, %scan3A_402 : i32
        %get3A_409 = arith.index_cast %add3A_408 : i32 to index
        %get3A_410 = arith.constant 0 : index
        %get3A_411 = tpu.vector_load %arg7[%get3A_409, %get3A_410] {strides = array<i32>} : memref<400x64xf32, #tpu.memory_space<vmem>>, vector<1x16xf32>,
        %get3A_412 = vector.shape_cast %get3A_411 : vector<1x16xf32> to vector<16xf32>
        %add3A_413 = arith.addf %get3A_407, %get3A_412 : vector<16xf32>
        %swap3A = arith.constant 3 : i32
        %swap3A_414 = arith.index_cast %swap3A : i32 to index
        %swap3A_415 = arith.index_cast %scan3A_402 : i32 to index
        %swap3A_416 = arith.constant 0 : index
        %swap3A_417 = tpu.vector_load %arg9[%swap3A_414, %swap3A_415, %swap3A_416] {strides = array<i32>} : memref<5x80x64xf32, #tpu.memory_space<vmem>>, vector<1x1x16xf32>,
        %swap3A_418 = vector.shape_cast %swap3A_417 : vector<1x1x16xf32> to vector<16xf32>
        %swap3A_419 = vector.shape_cast %add3A_413 : vector<16xf32> to vector<1x1x16xf32>
        tpu.vector_store %arg9[%swap3A_414, %swap3A_415, %swap3A_416], %swap3A_419 {strides = array<i32>} : memref<5x80x64xf32, #tpu.memory_space<vmem>>, vector<1x1x16xf32>,
        %get3A_420 = arith.constant 3 : i32
        %get3A_421 = arith.index_cast %get3A_420 : i32 to index
        %get3A_422 = arith.index_cast %scan3A_402 : i32 to index
        %get3A_423 = arith.constant 16 : index
        %get3A_424 = tpu.vector_load %arg8[%get3A_421, %get3A_422, %get3A_423] {strides = array<i32>} : memref<5x80x64xf32, #tpu.memory_space<vmem>>, vector<1x1x16xf32>,
        %get3A_425 = vector.shape_cast %get3A_424 : vector<1x1x16xf32> to vector<16xf32>
        %add3A_426 = arith.addi %rem3A_319, %scan3A_402 : i32
        %get3A_427 = arith.index_cast %add3A_426 : i32 to index
        %get3A_428 = arith.constant 16 : index
        %get3A_429 = tpu.vector_load %arg7[%get3A_427, %get3A_428] {strides = array<i32>} : memref<400x64xf32, #tpu.memory_space<vmem>>, vector<1x16xf32>,
        %get3A_430 = vector.shape_cast %get3A_429 : vector<1x16xf32> to vector<16xf32>
        %add3A_431 = arith.addf %get3A_425, %get3A_430 : vector<16xf32>
        %swap3A_432 = arith.constant 3 : i32
        %swap3A_433 = arith.index_cast %swap3A_432 : i32 to index
        %swap3A_434 = arith.index_cast %scan3A_402 : i32 to index
        %swap3A_435 = arith.constant 16 : index
        %swap3A_436 = tpu.vector_load %arg9[%swap3A_433, %swap3A_434, %swap3A_435] {strides = array<i32>} : memref<5x80x64xf32, #tpu.memory_space<vmem>>, vector<1x1x16xf32>,
        %swap3A_437 = vector.shape_cast %swap3A_436 : vector<1x1x16xf32> to vector<16xf32>
        %swap3A_438 = vector.shape_cast %add3A_431 : vector<16xf32> to vector<1x1x16xf32>
        tpu.vector_store %arg9[%swap3A_433, %swap3A_434, %swap3A_435], %swap3A_438 {strides = array<i32>} : memref<5x80x64xf32, #tpu.memory_space<vmem>>, vector<1x1x16xf32>,
        %get3A_439 = arith.constant 3 : i32
        %get3A_440 = arith.index_cast %get3A_439 : i32 to index
        %get3A_441 = arith.index_cast %scan3A_402 : i32 to index
        %get3A_442 = arith.constant 32 : index
        %get3A_443 = tpu.vector_load %arg8[%get3A_440, %get3A_441, %get3A_442] {strides = array<i32>} : memref<5x80x64xf32, #tpu.memory_space<vmem>>, vector<1x1x16xf32>,
        %get3A_444 = vector.shape_cast %get3A_443 : vector<1x1x16xf32> to vector<16xf32>
        %add3A_445 = arith.addi %rem3A_319, %scan3A_402 : i32
        %get3A_446 = arith.index_cast %add3A_445 : i32 to index
        %get3A_447 = arith.constant 32 : index
        %get3A_448 = tpu.vector_load %arg7[%get3A_446, %get3A_447] {strides = array<i32>} : memref<400x64xf32, #tpu.memory_space<vmem>>, vector<1x16xf32>,
        %get3A_449 = vector.shape_cast %get3A_448 : vector<1x16xf32> to vector<16xf32>
        %add3A_450 = arith.addf %get3A_444, %get3A_449 : vector<16xf32>
        %swap3A_451 = arith.constant 3 : i32
        %swap3A_452 = arith.index_cast %swap3A_451 : i32 to index
        %swap3A_453 = arith.index_cast %scan3A_402 : i32 to index
        %swap3A_454 = arith.constant 32 : index
        %swap3A_455 = tpu.vector_load %arg9[%swap3A_452, %swap3A_453, %swap3A_454] {strides = array<i32>} : memref<5x80x64xf32, #tpu.memory_space<vmem>>, vector<1x1x16xf32>,
        %swap3A_456 = vector.shape_cast %swap3A_455 : vector<1x1x16xf32> to vector<16xf32>
        %swap3A_457 = vector.shape_cast %add3A_450 : vector<16xf32> to vector<1x1x16xf32>
        tpu.vector_store %arg9[%swap3A_452, %swap3A_453, %swap3A_454], %swap3A_457 {strides = array<i32>} : memref<5x80x64xf32, #tpu.memory_space<vmem>>, vector<1x1x16xf32>,
        %get3A_458 = arith.constant 3 : i32
        %get3A_459 = arith.index_cast %get3A_458 : i32 to index
        %get3A_460 = arith.index_cast %scan3A_402 : i32 to index
        %get3A_461 = arith.constant 48 : index
        %get3A_462 = tpu.vector_load %arg8[%get3A_459, %get3A_460, %get3A_461] {strides = array<i32>} : memref<5x80x64xf32, #tpu.memory_space<vmem>>, vector<1x1x16xf32>,
        %get3A_463 = vector.shape_cast %get3A_462 : vector<1x1x16xf32> to vector<16xf32>
        %add3A_464 = arith.addi %rem3A_319, %scan3A_402 : i32
        %get3A_465 = arith.index_cast %add3A_464 : i32 to index
        %get3A_466 = arith.constant 48 : index
        %get3A_467 = tpu.vector_load %arg7[%get3A_465, %get3A_466] {strides = array<i32>} : memref<400x64xf32, #tpu.memory_space<vmem>>, vector<1x16xf32>,
        %get3A_468 = vector.shape_cast %get3A_467 : vector<1x16xf32> to vector<16xf32>
        %add3A_469 = arith.addf %get3A_463, %get3A_468 : vector<16xf32>
        %swap3A_470 = arith.constant 3 : i32
        %swap3A_471 = arith.index_cast %swap3A_470 : i32 to index
        %swap3A_472 = arith.index_cast %scan3A_402 : i32 to index
        %swap3A_473 = arith.constant 48 : index
        %swap3A_474 = tpu.vector_load %arg9[%swap3A_471, %swap3A_472, %swap3A_473] {strides = array<i32>} : memref<5x80x64xf32, #tpu.memory_space<vmem>>, vector<1x1x16xf32>,
        %swap3A_475 = vector.shape_cast %swap3A_474 : vector<1x1x16xf32> to vector<16xf32>
        %swap3A_476 = vector.shape_cast %add3A_469 : vector<16xf32> to vector<1x1x16xf32>
        tpu.vector_store %arg9[%swap3A_471, %swap3A_472, %swap3A_473], %swap3A_476 {strides = array<i32>} : memref<5x80x64xf32, #tpu.memory_space<vmem>>, vector<1x1x16xf32>,
      }
      %scan3A_325 = arith.constant 80 : i32
      %add3A_326 = arith.constant 5 : i32
      %add3A_327 = arith.addi %add3A_299, %add3A_326 : i32
      %lt3A_328 = arith.constant 100 : i32
      %lt3A_329 = arith.cmpi slt, %add3A_327, %lt3A_328 : i32
      %convert_element_type3A_330 = arith.extui %lt3A_329 : i1 to i32
      %cond3A_331 = arith.constant 0 : i32
      %cond3A_332 = arith.cmpi ne, %convert_element_type3A_330, %cond3A_331 : i32
      scf.if %cond3A_332 {
        %add3A_402 = arith.constant 5 : i32
        %add3A_403 = arith.addi %add3A_299, %add3A_402 : i32
        %dma_start3A_404 = arith.constant 3 : i32
        %dma_start3A_405 = arith.constant 0 : i32
        %dma_start3A_406 = arith.constant 0 : i32
        %dma_start3A_407 = tpu.memref_slice %arg8[%dma_start3A_404, %dma_start3A_405, %dma_start3A_406] : memref<5x80x64xf32, #tpu.memory_space<vmem>> -> memref<1x80x64xf32, #tpu.memory_space<vmem>>
        %dma_start3A_408 = tpu.memref_squeeze %dma_start3A_407 : memref<1x80x64xf32, #tpu.memory_space<vmem>> -> memref<80x64xf32, #tpu.memory_space<vmem>>
        %dma_start3A_409 = arith.constant 0 : i32
        %dma_start3A_410 = tpu.memref_slice %arg6[%add3A_403, %dma_start3A_409] : memref<100x80xi32, #tpu.memory_space<vmem>> -> memref<1x80xi32, #tpu.memory_space<vmem>>
        %dma_start3A_411 = tpu.memref_squeeze %dma_start3A_410 : memref<1x80xi32, #tpu.memory_space<vmem>> -> memref<80xi32, #tpu.memory_space<vmem>>
        %dma_start3A_412 = arith.constant 0 : i32
        %dma_start3A_413 = arith.constant 0 : i32
        %dma_start3A_414 = tpu.memref_slice %arg4[%dma_start3A_412, %dma_start3A_413] : memref<1000000x64xf32, #tpu.memory_space<hbm>> -> memref<1000000x64xf32, #tpu.memory_space<hbm>>
        tpu.enqueue_indirect_dma source(%dma_start3A_414 : memref<1000000x64xf32, #tpu.memory_space<hbm>>) target(%dma_start3A_408 : memref<80x64xf32, #tpu.memory_space<vmem>>) offsets(%dma_start3A_411 : memref<80xi32, #tpu.memory_space<vmem>>) semaphore(%arg13 : memref<!tpu.dma_semaphore, #tpu.memory_space<semaphore_mem>>)
      } else {
      }
      %mul3A_333 = arith.constant 80 : i32
      %mul3A_334 = arith.muli %add3A_299, %mul3A_333 : i32
      %add3A_335 = arith.addi %mul3A_2, %mul3A_334 : i32
      %dma_start3A_336 = arith.constant 3 : i32
      %dma_start3A_337 = arith.constant 0 : i32
      %dma_start3A_338 = arith.constant 0 : i32
      %dma_start3A_339 = tpu.memref_slice %arg9[%dma_start3A_336, %dma_start3A_337, %dma_start3A_338] : memref<5x80x64xf32, #tpu.memory_space<vmem>> -> memref<1x80x64xf32, #tpu.memory_space<vmem>>
      %dma_start3A_340 = tpu.memref_squeeze %dma_start3A_339 : memref<1x80x64xf32, #tpu.memory_space<vmem>> -> memref<80x64xf32, #tpu.memory_space<vmem>>
      %dma_start3A_341 = arith.constant 0 : i32
      %dma_start3A_342 = tpu.memref_slice %arg5[%add3A_335, %dma_start3A_341] : memref<256000x64xf32, #tpu.memory_space<hbm>> -> memref<80x64xf32, #tpu.memory_space<hbm>>
      %dma_start3A_343 = arith.constant 0 : i32
      %dma_start3A_344 = tpu.memref_slice %arg5[%add3A_335, %dma_start3A_343] : memref<256000x64xf32, #tpu.memory_space<hbm>> -> memref<80x64xf32, #tpu.memory_space<hbm>>
      %dma_start3A_345 = arith.constant 0 : i32
      %dma_start3A_346 = arith.constant 0 : i32
      %dma_start3A_347 = tpu.memref_slice %arg9[%dma_start3A_336, %dma_start3A_345, %dma_start3A_346] : memref<5x80x64xf32, #tpu.memory_space<vmem>> -> memref<1x80x64xf32, #tpu.memory_space<vmem>>
      %dma_start3A_348 = tpu.memref_squeeze %dma_start3A_347 : memref<1x80x64xf32, #tpu.memory_space<vmem>> -> memref<80x64xf32, #tpu.memory_space<vmem>>
      tpu.enqueue_dma source(%dma_start3A_348 : memref<80x64xf32, #tpu.memory_space<vmem>>) target(%dma_start3A_344 : memref<80x64xf32, #tpu.memory_space<hbm>>) target_semaphore(%arg18 : memref<!tpu.dma_semaphore, #tpu.memory_space<semaphore_mem>>)
      %mul3A_349 = arith.constant 5 : i32
      %mul3A_350 = arith.muli %scan3A_141, %mul3A_349 : i32
      %add3A_351 = arith.constant 4 : i32
      %add3A_352 = arith.addi %mul3A_350, %add3A_351 : i32
      %dma_wait3A_353 = arith.constant 4 : i32
      %dma_wait3A_354 = arith.constant 0 : i32
      %dma_wait3A_355 = arith.constant 0 : i32
      %dma_wait3A_356 = tpu.memref_slice %arg8[%dma_wait3A_353, %dma_wait3A_354, %dma_wait3A_355] : memref<5x80x64xf32, #tpu.memory_space<vmem>> -> memref<1x80x64xf32, #tpu.memory_space<vmem>>
      %dma_wait3A_357 = tpu.memref_squeeze %dma_wait3A_356 : memref<1x80x64xf32, #tpu.memory_space<vmem>> -> memref<80x64xf32, #tpu.memory_space<vmem>>
      %dma_wait3A_358 = arith.constant 0 : i32
      %dma_wait3A_359 = tpu.memref_slice %arg6[%add3A_352, %dma_wait3A_358] : memref<100x80xi32, #tpu.memory_space<vmem>> -> memref<1x80xi32, #tpu.memory_space<vmem>>
      %dma_wait3A_360 = tpu.memref_squeeze %dma_wait3A_359 : memref<1x80xi32, #tpu.memory_space<vmem>> -> memref<80xi32, #tpu.memory_space<vmem>>
      %dma_wait3A_361 = arith.constant 0 : i32
      %dma_wait3A_362 = arith.constant 0 : i32
      %dma_wait3A_363 = tpu.memref_slice %arg4[%dma_wait3A_361, %dma_wait3A_362] : memref<1000000x64xf32, #tpu.memory_space<hbm>> -> memref<1000000x64xf32, #tpu.memory_space<hbm>>
      tpu.wait_indirect_dma semaphore(%arg14 : memref<!tpu.dma_semaphore, #tpu.memory_space<semaphore_mem>>) src(%dma_wait3A_363 : memref<1000000x64xf32, #tpu.memory_space<hbm>>) dst(%dma_wait3A_357 : memref<80x64xf32, #tpu.memory_space<vmem>>)
      %gt3A_364 = arith.constant 0 : i32
      %gt3A_365 = arith.cmpi sgt, %scan3A_141, %gt3A_364 : i32
      %convert_element_type3A_366 = arith.extui %gt3A_365 : i1 to i32
      %cond3A_367 = arith.constant 0 : i32
      %cond3A_368 = arith.cmpi ne, %convert_element_type3A_366, %cond3A_367 : i32
      scf.if %cond3A_368 {
        %sub3A = arith.constant 5 : i32
        %sub3A_402 = arith.subi %add3A_352, %sub3A : i32
        %mul3A_403 = arith.constant 80 : i32
        %mul3A_404 = arith.muli %sub3A_402, %mul3A_403 : i32
        %add3A_405 = arith.addi %mul3A_2, %mul3A_404 : i32
        %dma_wait3A_406 = arith.constant 4 : i32
        %dma_wait3A_407 = arith.constant 0 : i32
        %dma_wait3A_408 = arith.constant 0 : i32
        %dma_wait3A_409 = tpu.memref_slice %arg9[%dma_wait3A_406, %dma_wait3A_407, %dma_wait3A_408] : memref<5x80x64xf32, #tpu.memory_space<vmem>> -> memref<1x80x64xf32, #tpu.memory_space<vmem>>
        %dma_wait3A_410 = tpu.memref_squeeze %dma_wait3A_409 : memref<1x80x64xf32, #tpu.memory_space<vmem>> -> memref<80x64xf32, #tpu.memory_space<vmem>>
        %dma_wait3A_411 = arith.constant 0 : i32
        %dma_wait3A_412 = tpu.memref_slice %arg5[%add3A_405, %dma_wait3A_411] : memref<256000x64xf32, #tpu.memory_space<hbm>> -> memref<80x64xf32, #tpu.memory_space<hbm>>
        %dma_wait3A_413 = arith.constant 0 : i32
        %dma_wait3A_414 = tpu.memref_slice %arg5[%add3A_405, %dma_wait3A_413] : memref<256000x64xf32, #tpu.memory_space<hbm>> -> memref<80x64xf32, #tpu.memory_space<hbm>>
        %dma_wait3A_415 = arith.constant 0 : i32
        %dma_wait3A_416 = arith.constant 0 : i32
        %dma_wait3A_417 = tpu.memref_slice %arg9[%dma_wait3A_406, %dma_wait3A_415, %dma_wait3A_416] : memref<5x80x64xf32, #tpu.memory_space<vmem>> -> memref<1x80x64xf32, #tpu.memory_space<vmem>>
        %dma_wait3A_418 = tpu.memref_squeeze %dma_wait3A_417 : memref<1x80x64xf32, #tpu.memory_space<vmem>> -> memref<80x64xf32, #tpu.memory_space<vmem>>
        tpu.wait_dma2 semaphore(%arg19 : memref<!tpu.dma_semaphore, #tpu.memory_space<semaphore_mem>>) src(%dma_wait3A_418 : memref<80x64xf32, #tpu.memory_space<vmem>>) dst(%dma_wait3A_414 : memref<80x64xf32, #tpu.memory_space<hbm>>)
      } else {
      }
      %mul3A_369 = arith.constant 80 : i32
      %mul3A_370 = arith.muli %add3A_352, %mul3A_369 : i32
      %rem3A_371 = arith.constant 250 : i32
      %rem3A_372 = arith.remsi %mul3A_370, %rem3A_371 : i32
      %scan3A_373 = arith.constant 0 : i32
      %scan3A_374 = arith.constant 0 : i32
      %scan3A_375 = arith.constant 80 : i32
      %scan3A_376 = arith.addi %scan3A_374, %scan3A_375 : i32
      %scan3A_377 = arith.constant 1 : i32
      scf.for %scan3A_402 = %scan3A_374 to %scan3A_376 step %scan3A_377  : i32 {
        %get3A = arith.constant 4 : i32
        %get3A_403 = arith.index_cast %get3A : i32 to index
        %get3A_404 = arith.index_cast %scan3A_402 : i32 to index
        %get3A_405 = arith.constant 0 : index
        %get3A_406 = tpu.vector_load %arg8[%get3A_403, %get3A_404, %get3A_405] {strides = array<i32>} : memref<5x80x64xf32, #tpu.memory_space<vmem>>, vector<1x1x16xf32>,
        %get3A_407 = vector.shape_cast %get3A_406 : vector<1x1x16xf32> to vector<16xf32>
        %add3A_408 = arith.addi %rem3A_372, %scan3A_402 : i32
        %get3A_409 = arith.index_cast %add3A_408 : i32 to index
        %get3A_410 = arith.constant 0 : index
        %get3A_411 = tpu.vector_load %arg7[%get3A_409, %get3A_410] {strides = array<i32>} : memref<400x64xf32, #tpu.memory_space<vmem>>, vector<1x16xf32>,
        %get3A_412 = vector.shape_cast %get3A_411 : vector<1x16xf32> to vector<16xf32>
        %add3A_413 = arith.addf %get3A_407, %get3A_412 : vector<16xf32>
        %swap3A = arith.constant 4 : i32
        %swap3A_414 = arith.index_cast %swap3A : i32 to index
        %swap3A_415 = arith.index_cast %scan3A_402 : i32 to index
        %swap3A_416 = arith.constant 0 : index
        %swap3A_417 = tpu.vector_load %arg9[%swap3A_414, %swap3A_415, %swap3A_416] {strides = array<i32>} : memref<5x80x64xf32, #tpu.memory_space<vmem>>, vector<1x1x16xf32>,
        %swap3A_418 = vector.shape_cast %swap3A_417 : vector<1x1x16xf32> to vector<16xf32>
        %swap3A_419 = vector.shape_cast %add3A_413 : vector<16xf32> to vector<1x1x16xf32>
        tpu.vector_store %arg9[%swap3A_414, %swap3A_415, %swap3A_416], %swap3A_419 {strides = array<i32>} : memref<5x80x64xf32, #tpu.memory_space<vmem>>, vector<1x1x16xf32>,
        %get3A_420 = arith.constant 4 : i32
        %get3A_421 = arith.index_cast %get3A_420 : i32 to index
        %get3A_422 = arith.index_cast %scan3A_402 : i32 to index
        %get3A_423 = arith.constant 16 : index
        %get3A_424 = tpu.vector_load %arg8[%get3A_421, %get3A_422, %get3A_423] {strides = array<i32>} : memref<5x80x64xf32, #tpu.memory_space<vmem>>, vector<1x1x16xf32>,
        %get3A_425 = vector.shape_cast %get3A_424 : vector<1x1x16xf32> to vector<16xf32>
        %add3A_426 = arith.addi %rem3A_372, %scan3A_402 : i32
        %get3A_427 = arith.index_cast %add3A_426 : i32 to index
        %get3A_428 = arith.constant 16 : index
        %get3A_429 = tpu.vector_load %arg7[%get3A_427, %get3A_428] {strides = array<i32>} : memref<400x64xf32, #tpu.memory_space<vmem>>, vector<1x16xf32>,
        %get3A_430 = vector.shape_cast %get3A_429 : vector<1x16xf32> to vector<16xf32>
        %add3A_431 = arith.addf %get3A_425, %get3A_430 : vector<16xf32>
        %swap3A_432 = arith.constant 4 : i32
        %swap3A_433 = arith.index_cast %swap3A_432 : i32 to index
        %swap3A_434 = arith.index_cast %scan3A_402 : i32 to index
        %swap3A_435 = arith.constant 16 : index
        %swap3A_436 = tpu.vector_load %arg9[%swap3A_433, %swap3A_434, %swap3A_435] {strides = array<i32>} : memref<5x80x64xf32, #tpu.memory_space<vmem>>, vector<1x1x16xf32>,
        %swap3A_437 = vector.shape_cast %swap3A_436 : vector<1x1x16xf32> to vector<16xf32>
        %swap3A_438 = vector.shape_cast %add3A_431 : vector<16xf32> to vector<1x1x16xf32>
        tpu.vector_store %arg9[%swap3A_433, %swap3A_434, %swap3A_435], %swap3A_438 {strides = array<i32>} : memref<5x80x64xf32, #tpu.memory_space<vmem>>, vector<1x1x16xf32>,
        %get3A_439 = arith.constant 4 : i32
        %get3A_440 = arith.index_cast %get3A_439 : i32 to index
        %get3A_441 = arith.index_cast %scan3A_402 : i32 to index
        %get3A_442 = arith.constant 32 : index
        %get3A_443 = tpu.vector_load %arg8[%get3A_440, %get3A_441, %get3A_442] {strides = array<i32>} : memref<5x80x64xf32, #tpu.memory_space<vmem>>, vector<1x1x16xf32>,
        %get3A_444 = vector.shape_cast %get3A_443 : vector<1x1x16xf32> to vector<16xf32>
        %add3A_445 = arith.addi %rem3A_372, %scan3A_402 : i32
        %get3A_446 = arith.index_cast %add3A_445 : i32 to index
        %get3A_447 = arith.constant 32 : index
        %get3A_448 = tpu.vector_load %arg7[%get3A_446, %get3A_447] {strides = array<i32>} : memref<400x64xf32, #tpu.memory_space<vmem>>, vector<1x16xf32>,
        %get3A_449 = vector.shape_cast %get3A_448 : vector<1x16xf32> to vector<16xf32>
        %add3A_450 = arith.addf %get3A_444, %get3A_449 : vector<16xf32>
        %swap3A_451 = arith.constant 4 : i32
        %swap3A_452 = arith.index_cast %swap3A_451 : i32 to index
        %swap3A_453 = arith.index_cast %scan3A_402 : i32 to index
        %swap3A_454 = arith.constant 32 : index
        %swap3A_455 = tpu.vector_load %arg9[%swap3A_452, %swap3A_453, %swap3A_454] {strides = array<i32>} : memref<5x80x64xf32, #tpu.memory_space<vmem>>, vector<1x1x16xf32>,
        %swap3A_456 = vector.shape_cast %swap3A_455 : vector<1x1x16xf32> to vector<16xf32>
        %swap3A_457 = vector.shape_cast %add3A_450 : vector<16xf32> to vector<1x1x16xf32>
        tpu.vector_store %arg9[%swap3A_452, %swap3A_453, %swap3A_454], %swap3A_457 {strides = array<i32>} : memref<5x80x64xf32, #tpu.memory_space<vmem>>, vector<1x1x16xf32>,
        %get3A_458 = arith.constant 4 : i32
        %get3A_459 = arith.index_cast %get3A_458 : i32 to index
        %get3A_460 = arith.index_cast %scan3A_402 : i32 to index
        %get3A_461 = arith.constant 48 : index
        %get3A_462 = tpu.vector_load %arg8[%get3A_459, %get3A_460, %get3A_461] {strides = array<i32>} : memref<5x80x64xf32, #tpu.memory_space<vmem>>, vector<1x1x16xf32>,
        %get3A_463 = vector.shape_cast %get3A_462 : vector<1x1x16xf32> to vector<16xf32>
        %add3A_464 = arith.addi %rem3A_372, %scan3A_402 : i32
        %get3A_465 = arith.index_cast %add3A_464 : i32 to index
        %get3A_466 = arith.constant 48 : index
        %get3A_467 = tpu.vector_load %arg7[%get3A_465, %get3A_466] {strides = array<i32>} : memref<400x64xf32, #tpu.memory_space<vmem>>, vector<1x16xf32>,
        %get3A_468 = vector.shape_cast %get3A_467 : vector<1x16xf32> to vector<16xf32>
        %add3A_469 = arith.addf %get3A_463, %get3A_468 : vector<16xf32>
        %swap3A_470 = arith.constant 4 : i32
        %swap3A_471 = arith.index_cast %swap3A_470 : i32 to index
        %swap3A_472 = arith.index_cast %scan3A_402 : i32 to index
        %swap3A_473 = arith.constant 48 : index
        %swap3A_474 = tpu.vector_load %arg9[%swap3A_471, %swap3A_472, %swap3A_473] {strides = array<i32>} : memref<5x80x64xf32, #tpu.memory_space<vmem>>, vector<1x1x16xf32>,
        %swap3A_475 = vector.shape_cast %swap3A_474 : vector<1x1x16xf32> to vector<16xf32>
        %swap3A_476 = vector.shape_cast %add3A_469 : vector<16xf32> to vector<1x1x16xf32>
        tpu.vector_store %arg9[%swap3A_471, %swap3A_472, %swap3A_473], %swap3A_476 {strides = array<i32>} : memref<5x80x64xf32, #tpu.memory_space<vmem>>, vector<1x1x16xf32>,
      }
      %scan3A_378 = arith.constant 80 : i32
      %add3A_379 = arith.constant 5 : i32
      %add3A_380 = arith.addi %add3A_352, %add3A_379 : i32
      %lt3A_381 = arith.constant 100 : i32
      %lt3A_382 = arith.cmpi slt, %add3A_380, %lt3A_381 : i32
      %convert_element_type3A_383 = arith.extui %lt3A_382 : i1 to i32
      %cond3A_384 = arith.constant 0 : i32
      %cond3A_385 = arith.cmpi ne, %convert_element_type3A_383, %cond3A_384 : i32
      scf.if %cond3A_385 {
        %add3A_402 = arith.constant 5 : i32
        %add3A_403 = arith.addi %add3A_352, %add3A_402 : i32
        %dma_start3A_404 = arith.constant 4 : i32
        %dma_start3A_405 = arith.constant 0 : i32
        %dma_start3A_406 = arith.constant 0 : i32
        %dma_start3A_407 = tpu.memref_slice %arg8[%dma_start3A_404, %dma_start3A_405, %dma_start3A_406] : memref<5x80x64xf32, #tpu.memory_space<vmem>> -> memref<1x80x64xf32, #tpu.memory_space<vmem>>
        %dma_start3A_408 = tpu.memref_squeeze %dma_start3A_407 : memref<1x80x64xf32, #tpu.memory_space<vmem>> -> memref<80x64xf32, #tpu.memory_space<vmem>>
        %dma_start3A_409 = arith.constant 0 : i32
        %dma_start3A_410 = tpu.memref_slice %arg6[%add3A_403, %dma_start3A_409] : memref<100x80xi32, #tpu.memory_space<vmem>> -> memref<1x80xi32, #tpu.memory_space<vmem>>
        %dma_start3A_411 = tpu.memref_squeeze %dma_start3A_410 : memref<1x80xi32, #tpu.memory_space<vmem>> -> memref<80xi32, #tpu.memory_space<vmem>>
        %dma_start3A_412 = arith.constant 0 : i32
        %dma_start3A_413 = arith.constant 0 : i32
        %dma_start3A_414 = tpu.memref_slice %arg4[%dma_start3A_412, %dma_start3A_413] : memref<1000000x64xf32, #tpu.memory_space<hbm>> -> memref<1000000x64xf32, #tpu.memory_space<hbm>>
        tpu.enqueue_indirect_dma source(%dma_start3A_414 : memref<1000000x64xf32, #tpu.memory_space<hbm>>) target(%dma_start3A_408 : memref<80x64xf32, #tpu.memory_space<vmem>>) offsets(%dma_start3A_411 : memref<80xi32, #tpu.memory_space<vmem>>) semaphore(%arg14 : memref<!tpu.dma_semaphore, #tpu.memory_space<semaphore_mem>>)
      } else {
      }
      %mul3A_386 = arith.constant 80 : i32
      %mul3A_387 = arith.muli %add3A_352, %mul3A_386 : i32
      %add3A_388 = arith.addi %mul3A_2, %mul3A_387 : i32
      %dma_start3A_389 = arith.constant 4 : i32
      %dma_start3A_390 = arith.constant 0 : i32
      %dma_start3A_391 = arith.constant 0 : i32
      %dma_start3A_392 = tpu.memref_slice %arg9[%dma_start3A_389, %dma_start3A_390, %dma_start3A_391] : memref<5x80x64xf32, #tpu.memory_space<vmem>> -> memref<1x80x64xf32, #tpu.memory_space<vmem>>
      %dma_start3A_393 = tpu.memref_squeeze %dma_start3A_392 : memref<1x80x64xf32, #tpu.memory_space<vmem>> -> memref<80x64xf32, #tpu.memory_space<vmem>>
      %dma_start3A_394 = arith.constant 0 : i32
      %dma_start3A_395 = tpu.memref_slice %arg5[%add3A_388, %dma_start3A_394] : memref<256000x64xf32, #tpu.memory_space<hbm>> -> memref<80x64xf32, #tpu.memory_space<hbm>>
      %dma_start3A_396 = arith.constant 0 : i32
      %dma_start3A_397 = tpu.memref_slice %arg5[%add3A_388, %dma_start3A_396] : memref<256000x64xf32, #tpu.memory_space<hbm>> -> memref<80x64xf32, #tpu.memory_space<hbm>>
      %dma_start3A_398 = arith.constant 0 : i32
      %dma_start3A_399 = arith.constant 0 : i32
      %dma_start3A_400 = tpu.memref_slice %arg9[%dma_start3A_389, %dma_start3A_398, %dma_start3A_399] : memref<5x80x64xf32, #tpu.memory_space<vmem>> -> memref<1x80x64xf32, #tpu.memory_space<vmem>>
      %dma_start3A_401 = tpu.memref_squeeze %dma_start3A_400 : memref<1x80x64xf32, #tpu.memory_space<vmem>> -> memref<80x64xf32, #tpu.memory_space<vmem>>
      tpu.enqueue_dma source(%dma_start3A_401 : memref<80x64xf32, #tpu.memory_space<vmem>>) target(%dma_start3A_397 : memref<80x64xf32, #tpu.memory_space<hbm>>) target_semaphore(%arg19 : memref<!tpu.dma_semaphore, #tpu.memory_space<semaphore_mem>>)
    }
    %scan3A_66 = arith.constant 20 : i32
    %add3A_67 = arith.constant 7600 : i32
    %add3A_68 = arith.addi %mul3A_2, %add3A_67 : i32
    %dma_wait3A = arith.constant 0 : i32
    %dma_wait3A_69 = arith.constant 0 : i32
    %dma_wait3A_70 = arith.constant 0 : i32
    %dma_wait3A_71 = tpu.memref_slice %arg9[%dma_wait3A, %dma_wait3A_69, %dma_wait3A_70] : memref<5x80x64xf32, #tpu.memory_space<vmem>> -> memref<1x80x64xf32, #tpu.memory_space<vmem>>
    %dma_wait3A_72 = tpu.memref_squeeze %dma_wait3A_71 : memref<1x80x64xf32, #tpu.memory_space<vmem>> -> memref<80x64xf32, #tpu.memory_space<vmem>>
    %dma_wait3A_73 = arith.constant 0 : i32
    %dma_wait3A_74 = tpu.memref_slice %arg5[%add3A_68, %dma_wait3A_73] : memref<256000x64xf32, #tpu.memory_space<hbm>> -> memref<80x64xf32, #tpu.memory_space<hbm>>
    %dma_wait3A_75 = arith.constant 0 : i32
    %dma_wait3A_76 = tpu.memref_slice %arg5[%add3A_68, %dma_wait3A_75] : memref<256000x64xf32, #tpu.memory_space<hbm>> -> memref<80x64xf32, #tpu.memory_space<hbm>>
    %dma_wait3A_77 = arith.constant 0 : i32
    %dma_wait3A_78 = arith.constant 0 : i32
    %dma_wait3A_79 = tpu.memref_slice %arg9[%dma_wait3A, %dma_wait3A_77, %dma_wait3A_78] : memref<5x80x64xf32, #tpu.memory_space<vmem>> -> memref<1x80x64xf32, #tpu.memory_space<vmem>>
    %dma_wait3A_80 = tpu.memref_squeeze %dma_wait3A_79 : memref<1x80x64xf32, #tpu.memory_space<vmem>> -> memref<80x64xf32, #tpu.memory_space<vmem>>
    tpu.wait_dma2 semaphore(%arg15 : memref<!tpu.dma_semaphore, #tpu.memory_space<semaphore_mem>>) src(%dma_wait3A_80 : memref<80x64xf32, #tpu.memory_space<vmem>>) dst(%dma_wait3A_76 : memref<80x64xf32, #tpu.memory_space<hbm>>)
    %add3A_81 = arith.constant 7680 : i32
    %add3A_82 = arith.addi %mul3A_2, %add3A_81 : i32
    %dma_wait3A_83 = arith.constant 1 : i32
    %dma_wait3A_84 = arith.constant 0 : i32
    %dma_wait3A_85 = arith.constant 0 : i32
    %dma_wait3A_86 = tpu.memref_slice %arg9[%dma_wait3A_83, %dma_wait3A_84, %dma_wait3A_85] : memref<5x80x64xf32, #tpu.memory_space<vmem>> -> memref<1x80x64xf32, #tpu.memory_space<vmem>>
    %dma_wait3A_87 = tpu.memref_squeeze %dma_wait3A_86 : memref<1x80x64xf32, #tpu.memory_space<vmem>> -> memref<80x64xf32, #tpu.memory_space<vmem>>
    %dma_wait3A_88 = arith.constant 0 : i32
    %dma_wait3A_89 = tpu.memref_slice %arg5[%add3A_82, %dma_wait3A_88] : memref<256000x64xf32, #tpu.memory_space<hbm>> -> memref<80x64xf32, #tpu.memory_space<hbm>>
    %dma_wait3A_90 = arith.constant 0 : i32
    %dma_wait3A_91 = tpu.memref_slice %arg5[%add3A_82, %dma_wait3A_90] : memref<256000x64xf32, #tpu.memory_space<hbm>> -> memref<80x64xf32, #tpu.memory_space<hbm>>
    %dma_wait3A_92 = arith.constant 0 : i32
    %dma_wait3A_93 = arith.constant 0 : i32
    %dma_wait3A_94 = tpu.memref_slice %arg9[%dma_wait3A_83, %dma_wait3A_92, %dma_wait3A_93] : memref<5x80x64xf32, #tpu.memory_space<vmem>> -> memref<1x80x64xf32, #tpu.memory_space<vmem>>
    %dma_wait3A_95 = tpu.memref_squeeze %dma_wait3A_94 : memref<1x80x64xf32, #tpu.memory_space<vmem>> -> memref<80x64xf32, #tpu.memory_space<vmem>>
    tpu.wait_dma2 semaphore(%arg16 : memref<!tpu.dma_semaphore, #tpu.memory_space<semaphore_mem>>) src(%dma_wait3A_95 : memref<80x64xf32, #tpu.memory_space<vmem>>) dst(%dma_wait3A_91 : memref<80x64xf32, #tpu.memory_space<hbm>>)
    %add3A_96 = arith.constant 7760 : i32
    %add3A_97 = arith.addi %mul3A_2, %add3A_96 : i32
    %dma_wait3A_98 = arith.constant 2 : i32
    %dma_wait3A_99 = arith.constant 0 : i32
    %dma_wait3A_100 = arith.constant 0 : i32
    %dma_wait3A_101 = tpu.memref_slice %arg9[%dma_wait3A_98, %dma_wait3A_99, %dma_wait3A_100] : memref<5x80x64xf32, #tpu.memory_space<vmem>> -> memref<1x80x64xf32, #tpu.memory_space<vmem>>
    %dma_wait3A_102 = tpu.memref_squeeze %dma_wait3A_101 : memref<1x80x64xf32, #tpu.memory_space<vmem>> -> memref<80x64xf32, #tpu.memory_space<vmem>>
    %dma_wait3A_103 = arith.constant 0 : i32
    %dma_wait3A_104 = tpu.memref_slice %arg5[%add3A_97, %dma_wait3A_103] : memref<256000x64xf32, #tpu.memory_space<hbm>> -> memref<80x64xf32, #tpu.memory_space<hbm>>
    %dma_wait3A_105 = arith.constant 0 : i32
    %dma_wait3A_106 = tpu.memref_slice %arg5[%add3A_97, %dma_wait3A_105] : memref<256000x64xf32, #tpu.memory_space<hbm>> -> memref<80x64xf32, #tpu.memory_space<hbm>>
    %dma_wait3A_107 = arith.constant 0 : i32
    %dma_wait3A_108 = arith.constant 0 : i32
    %dma_wait3A_109 = tpu.memref_slice %arg9[%dma_wait3A_98, %dma_wait3A_107, %dma_wait3A_108] : memref<5x80x64xf32, #tpu.memory_space<vmem>> -> memref<1x80x64xf32, #tpu.memory_space<vmem>>
    %dma_wait3A_110 = tpu.memref_squeeze %dma_wait3A_109 : memref<1x80x64xf32, #tpu.memory_space<vmem>> -> memref<80x64xf32, #tpu.memory_space<vmem>>
    tpu.wait_dma2 semaphore(%arg17 : memref<!tpu.dma_semaphore, #tpu.memory_space<semaphore_mem>>) src(%dma_wait3A_110 : memref<80x64xf32, #tpu.memory_space<vmem>>) dst(%dma_wait3A_106 : memref<80x64xf32, #tpu.memory_space<hbm>>)
    %add3A_111 = arith.constant 7840 : i32
    %add3A_112 = arith.addi %mul3A_2, %add3A_111 : i32
    %dma_wait3A_113 = arith.constant 3 : i32
    %dma_wait3A_114 = arith.constant 0 : i32
    %dma_wait3A_115 = arith.constant 0 : i32
    %dma_wait3A_116 = tpu.memref_slice %arg9[%dma_wait3A_113, %dma_wait3A_114, %dma_wait3A_115] : memref<5x80x64xf32, #tpu.memory_space<vmem>> -> memref<1x80x64xf32, #tpu.memory_space<vmem>>
    %dma_wait3A_117 = tpu.memref_squeeze %dma_wait3A_116 : memref<1x80x64xf32, #tpu.memory_space<vmem>> -> memref<80x64xf32, #tpu.memory_space<vmem>>
    %dma_wait3A_118 = arith.constant 0 : i32
    %dma_wait3A_119 = tpu.memref_slice %arg5[%add3A_112, %dma_wait3A_118] : memref<256000x64xf32, #tpu.memory_space<hbm>> -> memref<80x64xf32, #tpu.memory_space<hbm>>
    %dma_wait3A_120 = arith.constant 0 : i32
    %dma_wait3A_121 = tpu.memref_slice %arg5[%add3A_112, %dma_wait3A_120] : memref<256000x64xf32, #tpu.memory_space<hbm>> -> memref<80x64xf32, #tpu.memory_space<hbm>>
    %dma_wait3A_122 = arith.constant 0 : i32
    %dma_wait3A_123 = arith.constant 0 : i32
    %dma_wait3A_124 = tpu.memref_slice %arg9[%dma_wait3A_113, %dma_wait3A_122, %dma_wait3A_123] : memref<5x80x64xf32, #tpu.memory_space<vmem>> -> memref<1x80x64xf32, #tpu.memory_space<vmem>>
    %dma_wait3A_125 = tpu.memref_squeeze %dma_wait3A_124 : memref<1x80x64xf32, #tpu.memory_space<vmem>> -> memref<80x64xf32, #tpu.memory_space<vmem>>
    tpu.wait_dma2 semaphore(%arg18 : memref<!tpu.dma_semaphore, #tpu.memory_space<semaphore_mem>>) src(%dma_wait3A_125 : memref<80x64xf32, #tpu.memory_space<vmem>>) dst(%dma_wait3A_121 : memref<80x64xf32, #tpu.memory_space<hbm>>)
    %add3A_126 = arith.constant 7920 : i32
    %add3A_127 = arith.addi %mul3A_2, %add3A_126 : i32
    %dma_wait3A_128 = arith.constant 4 : i32
    %dma_wait3A_129 = arith.constant 0 : i32
    %dma_wait3A_130 = arith.constant 0 : i32
    %dma_wait3A_131 = tpu.memref_slice %arg9[%dma_wait3A_128, %dma_wait3A_129, %dma_wait3A_130] : memref<5x80x64xf32, #tpu.memory_space<vmem>> -> memref<1x80x64xf32, #tpu.memory_space<vmem>>
    %dma_wait3A_132 = tpu.memref_squeeze %dma_wait3A_131 : memref<1x80x64xf32, #tpu.memory_space<vmem>> -> memref<80x64xf32, #tpu.memory_space<vmem>>
    %dma_wait3A_133 = arith.constant 0 : i32
    %dma_wait3A_134 = tpu.memref_slice %arg5[%add3A_127, %dma_wait3A_133] : memref<256000x64xf32, #tpu.memory_space<hbm>> -> memref<80x64xf32, #tpu.memory_space<hbm>>
    %dma_wait3A_135 = arith.constant 0 : i32
    %dma_wait3A_136 = tpu.memref_slice %arg5[%add3A_127, %dma_wait3A_135] : memref<256000x64xf32, #tpu.memory_space<hbm>> -> memref<80x64xf32, #tpu.memory_space<hbm>>
    %dma_wait3A_137 = arith.constant 0 : i32
    %dma_wait3A_138 = arith.constant 0 : i32
    %dma_wait3A_139 = tpu.memref_slice %arg9[%dma_wait3A_128, %dma_wait3A_137, %dma_wait3A_138] : memref<5x80x64xf32, #tpu.memory_space<vmem>> -> memref<1x80x64xf32, #tpu.memory_space<vmem>>
    %dma_wait3A_140 = tpu.memref_squeeze %dma_wait3A_139 : memref<1x80x64xf32, #tpu.memory_space<vmem>> -> memref<80x64xf32, #tpu.memory_space<vmem>>
    tpu.wait_dma2 semaphore(%arg19 : memref<!tpu.dma_semaphore, #tpu.memory_space<semaphore_mem>>) src(%dma_wait3A_140 : memref<80x64xf32, #tpu.memory_space<vmem>>) dst(%dma_wait3A_136 : memref<80x64xf32, #tpu.memory_space<hbm>>)
    return
  }
}

</mosaic_0001>

<sc_bundles>
// kernel: kernel.3.cloned.1.call-start
scs
__scs_entry_jumppad:
0x0: {  	(pc) =	sbr.rel $0x88, $3  }
0x1: {  	(tag) =	ssettag $0x0;
	lr =	simm.s32 $0x1  }
0x2: {  	[smem:$0x3F9D] =	sst lr;
	_ =	strace $0xD0000000  }
0x3: {  	_ = 	snop  }
0x4: {  	_ = 	snop  }
0x5: {  	_ = 	snop  }
0x6: {  	_ = 	snop  }
0x7: {  	_ = 	snop  }
__scs_overlays_trampoline_lowered:
0x8: {  	[smem:$0x3FAC] =	sst s0  }
0x9: {  	[smem:$0x3FAD] =	sst s1  }
0xa: {  	[smem:$0x3FAE] =	sst s2  }
0xb: {  	[smem:$0x3FAF] =	sst s3  }
0xc: {  	[smem:$0x3FB0] =	sst s4  }
0xd: {  	[smem:$0x3FB1] =	sst s5  }
0xe: {  	[smem:$0x3FB2] =	sst s6  }
0xf: {  	[smem:$0x3FB3] =	sst s7  }
0x10: {  	[smem:$0x3FB4] =	sst s8  }
0x11: {  	[smem:$0x3FB5] =	sst s9;
	s0 =	simm.s32 @!p0 $0x0  }
0x12: {  	s1 =	sld [smem:$0x3F9B];
	s0 =	simm.s32 @p0 $0x1  }
0x13: {  	[smem:$0x3FB6] =	sst s0;
	s0 =	simm.s32 @!p1 $0x0  }
0x14: {  	s2 =	sld [smem:$0x3F9A];
	s0 =	simm.s32 @p1 $0x1  }
0x15: {  	[smem:$0x3FB7] =	sst s0;
	s0 =	simm.s32 @!p2 $0x0  }
0x16: {  	s3 =	sld [smem:$0x3FDB];
	s0 =	simm.s32 @p2 $0x1  }
0x17: {  	s4 =	simm.s32 $0x1BF5;
	[smem:$0x3FB9] =	sst s0  }
0x18: {  	s0 =	sld [smem:$0x3F9C];
	_ =	swait.ge [sflag:s4], $0x0  }
0x19: {  	s7 =	sld [smem:$0x3F9D]  }
0x1a: {  	s8 =	sadd.s32 $0xFFFFE003, lr  }
0x1b: {  	s9 =	sadd.s32 $0xFFFFFEF7, lr;
	s5 =	simm.s32 $0xFFFFFFFF;
	p2 =	slt.u32 s8, $0xFFFFF086  }
0x1c: {  	p1 =	slt.u32 s9, $0xF7A;
	s5 =	simm.s32 @!p2 $0x0  }
0x1d: {  	s5 =	simm.s32 @p1 $0x1;
	p0 =	seq.s32 s7, s2  }
0x1e: {  	s7 =	smul.u32 @!p0 $0xF7A, s2;
	p2 =	seq.s32 @!p0 s5, $0x0  }
0x1f: {  	s9 =	smul.u32 $0xF7A, s1;
	s8 =	simm.s32 @!p0 $0x1BF5;
	p2 =	por !p2, p0  }
0x20: {  	[sflag:s8] =	ssyncset.s32 @!p0 $0xFFFFF086;
	s6 =	sadd.s32 @!p0 s3, s7;
	s7 =	simm.s32 @!p0 $0x108  }
0x21: {  	s3 =	sadd.s32 s3, s9;
	s6 =	sadd.s32 @!p0 $0x88, s6;
	s7 =	simm.s32 @p2 $0x1082  }
0x22: {  	[simem:s7], [sflag:s8] =	dma.local @!p0 [hbm:s6], $0xF7A  }
0x23: {  	s9 =	sor.u32 $0xD0000000, s2;
	s6 =	simm.s32 $0x108;
	_ =	swait.ge @!p0 [sflag:s8], $0x0  }
0x24: {  	s3 =	sadd.s32 $0x88, s3;
	s6 =	simm.s32 @!p1 $0x1082;
	[sflag:s4] =	ssyncset.s32 $0xFFFFF086  }
0x25: {  	[simem:s6], [sflag:s4] =	dma.local [hbm:s3], $0xF7A  }
0x26: {  	[smem:$0x3F9D] =	sst s1;
	(tag) =	ssettag s2;
	_ =	strace s9  }
0x27: {  	s1 =	sld [smem:$0x3FAD]  }
0x28: {  	s2 =	sld [smem:$0x3FAE]  }
0x29: {  	s4 =	sld [smem:$0x3FB0]  }
0x2a: {  	p0 =	seq.s32 s5, $0x0;
	s5 =	sld [smem:$0x3FB1]  }
0x2b: {  	s6 =	sld [smem:$0x3FB2]  }
0x2c: {  	s7 =	sld [smem:$0x3FB3]  }
0x2d: {  	s3 =	simm.s32 $0x108;
	s8 =	sld [smem:$0x3FB4]  }
0x2e: {  	s3 =	simm.s32 @!p0 $0x1082;
	s9 =	sld [smem:$0x3FB5]  }
0x2f: {  	lr =	sadd.s32 s0, s3;
	s0 =	sld [smem:$0x3FAC]  }
0x30: {  	s3 =	sld [smem:$0x3FAF]  }
0x31: {  	[smem:$0x3FB8] =	sst s10  }
0x32: {  	s10 =	sld [smem:$0x3FB6];
	_ =	sdelay $0x3  }
0x33: {  	p0 =	seq.s32 s10, $0x1;
	s10 =	sld [smem:$0x3FB8];
	_ =	sdelay $0x3  }
0x34: {  	[smem:$0x3FB8] =	sst s10  }
0x35: {  	s10 =	sld [smem:$0x3FB7];
	_ =	sdelay $0x3  }
0x36: {  	p1 =	seq.s32 s10, $0x1;
	s10 =	sld [smem:$0x3FB8];
	_ =	sdelay $0x3  }
0x37: {  	[smem:$0x3FB8] =	sst s10  }
0x38: {  	s10 =	sld [smem:$0x3FB9]  }
0x39: {  	_ = 	snop;
	(pc) =	sbr.ind lr, $3  }
0x3a: {  	_ = 	snop  }
0x3b: {  	_ = 	snop  }
0x3c: {  	p2 =	seq.s32 s10, $0x1;
	s10 =	sld [smem:$0x3FB8]  }
0x3d: {  	_ =	shalt  }
0x3e: {  	_ =	shalt  }
0x3f: {  	_ =	shalt  }
0x40: {  	_ =	shalt  }
0x41: {  	_ =	shalt  }
0x42: {  	_ =	shalt  }
0x43: {  	_ =	shalt  }
0x44: {  	_ =	shalt  }
0x45: {  	_ =	shalt  }
0x46: {  	_ =	shalt  }
0x47: {  	_ =	shalt  }
0x48: {  	_ =	shalt  }
0x49: {  	_ =	shalt  }
0x4a: {  	_ =	shalt  }
0x4b: {  	_ =	shalt  }
0x4c: {  	_ =	shalt  }
0x4d: {  	_ =	shalt  }
0x4e: {  	_ =	shalt  }
0x4f: {  	_ =	shalt  }
0x50: {  	_ =	shalt  }
0x51: {  	_ =	shalt  }
0x52: {  	_ =	shalt  }
0x53: {  	_ =	shalt  }
0x54: {  	_ =	shalt  }
0x55: {  	_ =	shalt  }
0x56: {  	_ =	shalt  }
0x57: {  	_ =	shalt  }
0x58: {  	_ =	shalt  }
0x59: {  	_ =	shalt  }
0x5a: {  	_ =	shalt  }
0x5b: {  	_ =	shalt  }
0x5c: {  	_ =	shalt  }
0x5d: {  	_ =	shalt  }
0x5e: {  	_ =	shalt  }
0x5f: {  	_ =	shalt  }
0x60: {  	_ =	shalt  }
0x61: {  	_ =	shalt  }
0x62: {  	_ =	shalt  }
0x63: {  	_ =	shalt  }
0x64: {  	_ =	shalt  }
0x65: {  	_ =	shalt  }
0x66: {  	_ =	shalt  }
0x67: {  	_ =	shalt  }
0x68: {  	_ =	shalt  }
0x69: {  	_ =	shalt  }
0x6a: {  	_ =	shalt  }
0x6b: {  	_ =	shalt  }
0x6c: {  	_ =	shalt  }
0x6d: {  	_ =	shalt  }
0x6e: {  	_ =	shalt  }
0x6f: {  	_ =	shalt  }
0x70: {  	_ =	shalt  }
0x71: {  	_ =	shalt  }
0x72: {  	_ =	shalt  }
0x73: {  	_ =	shalt  }
0x74: {  	_ =	shalt  }
0x75: {  	_ =	shalt  }
0x76: {  	_ =	shalt  }
0x77: {  	_ =	shalt  }
0x78: {  	_ =	shalt  }
0x79: {  	_ =	shalt  }
0x7a: {  	_ =	shalt  }
0x7b: {  	_ =	shalt  }
0x7c: {  	_ =	shalt  }
0x7d: {  	_ =	shalt  }
0x7e: {  	_ =	shalt  }
0x7f: {  	_ =	shalt  }
0x80: {  	_ =	shalt  }
0x81: {  	_ =	shalt  }
0x82: {  	_ =	shalt  }
0x83: {  	_ =	shalt  }
0x84: {  	_ =	shalt  }
0x85: {  	_ =	shalt  }
0x86: {  	_ =	shalt  }
0x87: {  	_ =	shalt  }
.Lfunc_end0:
.L_simem_size_0:
called_computation.1_lowered:
.L_overlay_start_0:
0x88: {  	s2 =	sld [smem:$0x3FD9]  }
0x89: {  	s3 =	sld [smem:$0x3FFE];
	_ =	sdelay $0x1  }
0x8a: {  	s1 =	srdreg.scid  }
0x8b: {  	s0 =	sand.u32 $0x1, s1  }
0x8c: {  	s17 =	sshll.u32 s0, $0xA;
	s2 =	sadd.s32 s3, s2  }
0x8d: {  	s2 =	sadd.s32 s2, s17  }
0x8e: {  	[smem:$0x3FC4] =	sst s2  }
0x8f: {  	_ = 	snop  }
0x90: {  	s2 =	sld [smem:$0x3FD0];
	(tm) =	ssettm $0x1  }
0x91: {  	s18 =	sld [smem:$0x3FFB];
	_ =	sdelay $0x3  }
0x92: {  	_ =	strace s18  }
0x93: {  	s3 =	sld [smem:$0x3FFC];
	_ =	sdelay $0x3  }
0x94: {  	_ =	strace s3  }
0x95: {  	s3 =	sld [smem:$0x3FFD];
	_ =	sdelay $0x3  }
0x96: {  	_ =	strace s3  }
0x97: {  	_ =	strace $0x8FFFFFFF  }
0x98: {  	s19 =	sld [smem:$0x3FDB];
	_ =	sdelay $0x1  }
0x99: {  	s4 =	simm.s32 $_scs_section_size  }
0x9a: {  	s5 =	simm.s32 $_size__tile_overlayer_lowered;
	s6 =	simm.s32 $_tile_overlayer_lowered  }
0x9b: {  	s22 =	simm.s32 $0x1BFF;
	s21 =	sshll.u32 s6, $0x1;
	s3 =	sadd.s32 s4, s19  }
0x9c: {  	s7 =	simm.s32 $0x0;
	s20 =	sshll.u32 s5, $0x1;
	s5 =	sadd.s32 s21, s3  }
0x9d: {  	[timem:s7], [sflag:s22] =	dma.local [hbm:s5], s20  }
0x9e: {  	_ =	swait.ge [sflag:s22], s20  }
0x9f: {  	s4 =	ssub.s32 $0x0, s20;
	[sflag:s22] =	ssyncset.done $0x0  }
0xa0: {  	[sflag:s22] =	ssyncadd.s32 s4;
	_ =	sdelay $0x1  }
0xa1: {  	s23 =	simm.s32 $0x1B8B  }
0xa2: {  	_ =	swait.ge [sflag:s23], $0x1  }
0xa3: {  	[sflag:s23] =	ssyncset.done $0x0  }
0xa4: {  	s25 =	simm.s32 $0x1B8E;
	s24 =	sld [smem:$0x3FFE];
	[sflag:s23] =	ssyncadd.s32 $0xFFFFFFFF  }
0xa5: {  	s26 =	simm.s32 $execute0_lowered;
	[smem:$0x3FD2] =	sst s25  }
0xa6: {  	s5 =	sshll.u32 s26, $0x1;
	_ =	strace $0x80000046;
	[dreg:$0x1] =	wrdreg $0xFFFFFFFF  }
0xa7: {  	s28 =	simm.s32 $_size_execute0_lowered;
	s3 =	sadd.s32 s3, s5;
	[dreg:$0x0] =	wrdreg $0x0  }
0xa8: {  	s5 =	sshll.u32 s28, $0x1;
	[dreg:$0x2] =	wrdreg s3  }
0xa9: {  	[dreg:$0x3] =	wrdreg s5  }
0xaa: {  	[dreg:$0x4] =	wrdreg $0xC0  }
0xab: {  	_ =	task [dreg:s7], $0x5FFFF  }
0xac: {  	[dreg:$0x1] =	wrdreg $0xFFFFFFFF  }
0xad: {  	[dreg:$0x0] =	wrdreg $0x60  }
0xae: {  	[dreg:$0x2] =	wrdreg s24  }
0xaf: {  	[dreg:$0x3] =	wrdreg s2  }
0xb0: {  	[dreg:$0x4] =	wrdreg $0x9  }
0xb1: {  	_ =	task.clear_ibuf [dreg:s7], $0x5FFFF;
	_ =	strace $0x90000046  }
0xb2: {  	s29 =	simm.s32 $0x9;
	_ =	strace $0x80000048  }
0xb3: {  	_ =	swait.ge [sflag:s29], $0x1  }
0xb4: {  	[sflag:s29] =	ssyncadd.s32 $0xFFFFFFFF  }
0xb5: {  	_ =	strace $0x90000048  }
0xb6: {  	_ =	sfence  }
0xb7: {  	s30 =	sld [smem:$0x0];
	_ =	sdelay $0x2  }
0xb8: {  	s31 =	sshll.u32 s1, $0xD;
	s1 =	sshrl.u32 s1, $0x2  }
0xb9: {  	s3 =	sand.u32 $0x4000, s31;
	s1 =	sadd.s32 s1, s30  }
0xba: {  	s0 =	sor.u32 s3, s0;
	s1 =	sshll.u32 s1, $0x11  }
0xbb: {  	s0 =	sor.u32 s1, s0  }
0xbc: {  	s0 =	sadd.s32 $0x8F2B, s0  }
0xbd: {  	[sflag:s0] =	ssyncadd.remote.s32 $0x1  }
0xbe: {  	_ =	sfence.sel $0xFFFF  }
0xbf: {  	[dreg:$0x0] =	wrdreg $0xFFFFFFFF;
	(pc) =	sbr.abs _section_cstart, $3  }
0xc0: {  	[dreg:$0x1] =	wrdreg $0xFFFFFFFF  }
0xc1: {  	_ =	task.clear_ibuf [dreg:s7], $0x2FFFF;
	_ =	strace $0x9FFFFFFF  }
0xc2: {  	(tm) =	ssettm $0x7FFFFFFF  }
0xc3: {  	_ =	shalt  }
tec
execute0_lowered:
.L_overlay_start_1:
0x0: {  	(tag) =	ssettag $0x1  }
0x1: {  	s0 =	srdreg.scid;
	s5 =	rddreg [dreg:$0x0]  }
0x2: {  	s1 =	stileid.u32;
	s2 =	rddreg [dreg:$0x1]  }
0x3: {  	s4 =	simm.s32 $0x0;
	s15 =	simm.s32 $0x1;
	s16 =	simm.s32 $0xE740  }
0x4: {  	s17 =	simm.s32 $0x2;
	s18 =	simm.s32 $0xFB40;
	s19 =	simm.s32 $0x3  }
0x5: {  	s20 =	simm.s32 $0x10F40;
	s0 =	sand.u32 $0x1, s0;
	s1 =	sshll.u32 s1, $0x1  }
0x6: {  	s21 =	simm.s32 $0x4;
	s22 =	simm.s32 $0x12340;
	s1 =	sor.u32 s0, s1  }
0x7: {  	s23 =	simm.s32 $0x5;
	s0 =	ssub.s32 $0x2, s0;
	s3 =	smul.u32 $0x1F40, s1  }
0x8: {  	[smem:$0x7FF] =	sst s4;
	s6 =	sadd.s32 $0x9600, s5;
	s7 =	sshrl.u32 s0, $0x1  }
0x9: {  	_ =	strace $0x80000047;
	s0 =	ssub.s32 s0, s7;
	s1 =	sshrl.u32 s3, $0x3  }
0xa: {  	[dreg:$0x3] =	wrdreg s6;
	s0 =	smax.u32 s0, $0x1;
	s1 =	sadd.s32 s1, s5  }
0xb: {  	s24 =	simm.s32 $0x13740;
	[dreg:$0x5] =	wrdreg s0;
	s1 =	sadd.s32 $0x1800, s1  }
0xc: {  	s31 =	simm.s32 $0x0;
	s6 =	sadd.s32 $0xF43C00, s5;
	[dreg:$0x4] =	wrdreg s1  }
.LBB2_1:
0xd: {  	s0 =	rddreg [dreg:$0x4];
	s5 =	simm.s32 $0xB  }
0xe: {  	[tilespmem:s4], [sflag:$0xB] =	stream.linear.gather [hbm4b:s0+s4], $0x1F40, $0x38;
	[tilespmem:$0x14B40] =	vst v63  }
0xf: {  	_ =	swait.ge [sflag:s5], $0x1F40  }
0x10: {  	[sflag:s5] =	ssyncset.done $0x0  }
0x11: {  	s1 =	simm.s32 $0x1F40;
	s14 =	rddreg [dreg:$0x3];
	[sflag:s5] =	ssyncadd.s32 $0xFFFFE0C0  }
0x12: {  	[tilespmem:s1], [sflag:$0xB] =	stream.linear.gather [hbm4b:s14+s4], $0x6400, $0x38;
	[tilespmem:$0x14B40] =	vst v63  }
0x13: {  	_ =	swait.ge [sflag:s5], $0x6400  }
0x14: {  	[sflag:s5] =	ssyncset.done $0x0  }
0x15: {  	s25 =	simm.s32 $0x8340;
	s0 =	simm.s32 $0x50;
	[sflag:s5] =	ssyncadd.s32 $0xFFFF9C00  }
0x16: {  	[tilespmem:s25], [sflag:$0x1] =	stream.indirect.gather [hbm4b:s6+s0], $0x40, s4, s0, $0xb8;
	[tilespmem:$0x14B40] =	vst v63  }
0x17: {  	s26 =	simm.s32 $0x9740  }
0x18: {  	[tilespmem:s26], [sflag:$0x2] =	stream.indirect.gather [hbm4b:s6+s0], $0x40, s0, s0, $0xb8;
	[tilespmem:$0x14B40] =	vst v63  }
0x19: {  	s10 =	simm.s32 $0xA0;
	s28 =	simm.s32 $0xAB40  }
0x1a: {  	[tilespmem:s28], [sflag:$0x3] =	stream.indirect.gather [hbm4b:s6+s0], $0x40, s10, s0, $0xb8;
	[tilespmem:$0x14B40] =	vst v63  }
0x1b: {  	s11 =	simm.s32 $0xF0;
	s29 =	simm.s32 $0xBF40;
	s12 =	simm.s32 $0x140  }
0x1c: {  	[tilespmem:s29], [sflag:$0x4] =	stream.indirect.gather [hbm4b:s6+s0], $0x40, s11, s0, $0xb8;
	[tilespmem:$0x14B40] =	vst v63  }
0x1d: {  	s30 =	simm.s32 $0xD340;
	s13 =	simm.s32 $0x0;
	s14 =	simm.s32 $0x0  }
0x1e: {  	[tilespmem:s30], [sflag:$0x5] =	stream.indirect.gather [hbm4b:s6+s0], $0x40, s12, s0, $0xb8;
	[tilespmem:$0x14B40] =	vst v63  }
.LBB2_2:
0x1f: {  	s5 =	smulhi.u32 $0x10624DD3, s12  }
0x20: {  	s7 =	smulhi.u32 $0x10624DD3, s11  }
0x21: {  	s8 =	smulhi.u32 $0x10624DD3, s10  }
0x22: {  	s25 =	smulhi.u32 $0x10624DD3, s0  }
0x23: {  	s26 =	smulhi.u32 $0x10624DD3, s13;
	s8 =	sshrl.u32 s8, $0x4  }
0x24: {  	s25 =	sshrl.u32 s25, $0x4;
	s8 =	smul.u32 $0xFFFF0600, s8  }
0x25: {  	_ =	swait.ge [sflag:s15], $0x1400;
	s30 =	sshrl.u32 s26, $0x4;
	s28 =	smul.u32 $0xFFFF0600, s25  }
0x26: {  	p0 =	seq.s32 s14, $0x0;
	[sflag:s15] =	ssyncset.done $0x0;
	s29 =	smul.u32 $0xFFFF0600, s30  }
0x27: {  	s5 =	sshrl.u32 s5, $0x4;
	s7 =	sshrl.u32 s7, $0x4;
	s8 =	sshra.s32 s8, $0x2  }
0x28: {  	s9 =	sshra.s32 s29, $0x2;
	s26 =	sadd.s32 s8, s1;
	s8 =	sshra.s32 s28, $0x2  }
0x29: {  	s5 =	smul.u32 $0xFFFF0600, s5;
	s28 =	sadd.s32 s8, s1;
	s8 =	sadd.s32 s9, s1  }
0x2a: {  	[sflag:s15] =	ssyncadd.s32 $0xFFFFEC00;
	s7 =	smul.u32 $0xFFFF0600, s7;
	s30 =	simm.s32 @!p0 $0x6;
	v0 =	vmov s8  }
0x2b: {  	_ =	swait.ge @!p0 [sflag:s30], $0x1400  }
0x2c: {  	s5 =	sshra.s32 s5, $0x2;
	s7 =	sshra.s32 s7, $0x2;
	[sflag:s30] =	ssyncset.done @!p0 $0x0  }
0x2d: {  	s29 =	simm.s32 $0x0;
	s5 =	sadd.s32 s5, s1;
	s25 =	sadd.s32 s7, s1  }
0x2e: {  	[sflag:s30] =	ssyncadd.s32 @!p0 $0xFFFFEC00;
	s7 =	smul.u32 $0x190, s14;
	s8 =	simm.s32 $0x100  }
.LBB2_3:
0x2f: {  	p1 =	sne.s32 s8, $0x4F00;
	v1 =	vld.idx.msk [tilespmem:v0+s29+$0x0 ss:$0x1], $0xffff  }
0x30: {  	v2 =	vld [tilespmem:s29+$0x8340];
	_ =	sdelay $0x4  }
0x31: {  	v1 =	vadd.f32 v1, v2;
	_ =	sdelay $0x1  }
0x32: {  	[tilespmem:s29+$0xE740] =	vst v1  }
0x33: {  	v1 =	vld.idx.msk [tilespmem:v0+s29+$0x10 ss:$0x1], $0xffff  }
0x34: {  	v2 =	vld [tilespmem:s29+$0x8350];
	_ =	sdelay $0x4  }
0x35: {  	v1 =	vadd.f32 v1, v2;
	_ =	sdelay $0x1  }
0x36: {  	[tilespmem:s29+$0xE750] =	vst v1  }
0x37: {  	v1 =	vld.idx.msk [tilespmem:v0+s29+$0x20 ss:$0x1], $0xffff  }
0x38: {  	v2 =	vld [tilespmem:s29+$0x8360];
	_ =	sdelay $0x4  }
0x39: {  	v1 =	vadd.f32 v1, v2;
	_ =	sdelay $0x1  }
0x3a: {  	[tilespmem:s29+$0xE760] =	vst v1  }
0x3b: {  	v1 =	vld.idx.msk [tilespmem:v0+s29+$0x30 ss:$0x1], $0xffff  }
0x3c: {  	v2 =	vld [tilespmem:s29+$0x8370];
	_ =	sdelay $0x2  }
.Ltmp0:
0x3d: {  	(pc) =	sbr.rel @p1 .LBB2_3-.Ltmp0, $3  }
0x3e: {  	_ = 	snop  }
0x3f: {  	v1 =	vadd.f32 v1, v2;
	_ =	sdelay $0x1  }
0x40: {  	[tilespmem:s29+$0xE770] =	vst v1;
	s29 =	sshra.s32 s8, $0x2;
	s8 =	sadd.s32 $0x100, s8  }
0x41: {  	_ =	sdelay $0x3  }
0x42: {  	v1 =	vld.idx.msk [tilespmem:v0+s29+$0x0 ss:$0x1], $0xffff  }
0x43: {  	v2 =	vld [tilespmem:s29+$0x8340];
	_ =	sdelay $0x4  }
0x44: {  	v1 =	vadd.f32 v1, v2;
	_ =	sdelay $0x1  }
0x45: {  	v2 =	vld [tilespmem:s29+$0x8350];
	[tilespmem:s29+$0xE740] =	vst v1  }
0x46: {  	v1 =	vld.idx.msk [tilespmem:v0+s29+$0x10 ss:$0x1], $0xffff;
	_ =	sdelay $0x4  }
0x47: {  	v1 =	vadd.f32 v1, v2;
	_ =	sdelay $0x1  }
0x48: {  	v2 =	vld [tilespmem:s29+$0x8360];
	[tilespmem:s29+$0xE750] =	vst v1  }
0x49: {  	v1 =	vld.idx.msk [tilespmem:v0+s29+$0x20 ss:$0x1], $0xffff;
	_ =	sdelay $0x4  }
0x4a: {  	v1 =	vadd.f32 v1, v2;
	_ =	sdelay $0x1  }
0x4b: {  	[tilespmem:s29+$0xE760] =	vst v1;
	v1 =	vld [tilespmem:s29+$0x8370]  }
0x4c: {  	v0 =	vld.idx.msk [tilespmem:v0+s29+$0x30 ss:$0x1], $0xffff;
	_ =	sdelay $0x2  }
0x4d: {  	p1 =	seq.s32 s14, $0x13  }
0x4e: {  	s8 =	smul.u32 @!p1 $0x640, s14  }
0x4f: {  	v0 =	vadd.f32 v0, v1  }
0x50: {  	s8 =	sshra.s32 @!p1 s8, $0x2  }
0x51: {  	s30 =	simm.s32 @!p1 $0x50;
	s9 =	simm.s32 @!p1 $0x8340;
	[tilespmem:s29+$0xE770] =	vst v0;
	s29 =	sadd.s32 @!p1 $0x190, s8  }
0x52: {  	[tilespmem:s9], [sflag:$0x1] =	stream.indirect.gather @!p1 [hbm4b:s6+s30], $0x40, s29, s30, $0xb8;
	[tilespmem:$0x14B40] =	vst v63  }
0x53: {  	s9 =	sadd.s32 s3, s7  }
0x54: {  	s9 =	sshll.u32 s9, $0x3  }
0x55: {  	s9 =	sadd.s32 s2, s9  }
0x56: {  	[hbm4b:s9+s4] =	stream.linear.scatter [tilespmem:s16], [sflag:$0x6], $0x1400, $0x38;
	[tilespmem:$0x14B40] =	vst v63  }
0x57: {  	_ =	swait.ge [sflag:s17], $0x1400  }
0x58: {  	v0 =	vmov s28;
	[sflag:s17] =	ssyncset.done $0x0  }
0x59: {  	s9 =	simm.s32 @!p0 $0x7;
	[sflag:s17] =	ssyncadd.s32 $0xFFFFEC00  }
0x5a: {  	_ =	swait.ge @!p0 [sflag:s9], $0x1400  }
0x5b: {  	s28 =	simm.s32 $0x0;
	[sflag:s9] =	ssyncset.done @!p0 $0x0  }
0x5c: {  	s29 =	sadd.s32 $0x50, s7;
	s30 =	simm.s32 $0x100;
	[sflag:s9] =	ssyncadd.s32 @!p0 $0xFFFFEC00  }
.LBB2_5:
0x5d: {  	p2 =	sne.s32 s30, $0x4F00;
	v1 =	vld.idx.msk [tilespmem:v0+s28+$0x1400 ss:$0x1], $0xffff  }
0x5e: {  	v2 =	vld [tilespmem:s28+$0x9740];
	_ =	sdelay $0x4  }
0x5f: {  	v1 =	vadd.f32 v1, v2;
	_ =	sdelay $0x1  }
0x60: {  	[tilespmem:s28+$0xFB40] =	vst v1  }
0x61: {  	v1 =	vld.idx.msk [tilespmem:v0+s28+$0x1410 ss:$0x1], $0xffff  }
0x62: {  	v2 =	vld [tilespmem:s28+$0x9750];
	_ =	sdelay $0x4  }
0x63: {  	v1 =	vadd.f32 v1, v2;
	_ =	sdelay $0x1  }
0x64: {  	[tilespmem:s28+$0xFB50] =	vst v1  }
0x65: {  	v1 =	vld.idx.msk [tilespmem:v0+s28+$0x1420 ss:$0x1], $0xffff  }
0x66: {  	v2 =	vld [tilespmem:s28+$0x9760];
	_ =	sdelay $0x4  }
0x67: {  	v1 =	vadd.f32 v1, v2;
	_ =	sdelay $0x1  }
0x68: {  	[tilespmem:s28+$0xFB60] =	vst v1  }
0x69: {  	v1 =	vld.idx.msk [tilespmem:v0+s28+$0x1430 ss:$0x1], $0xffff  }
0x6a: {  	v2 =	vld [tilespmem:s28+$0x9770];
	_ =	sdelay $0x2  }
.Ltmp1:
0x6b: {  	(pc) =	sbr.rel @p2 .LBB2_5-.Ltmp1, $3  }
0x6c: {  	_ = 	snop  }
0x6d: {  	v1 =	vadd.f32 v1, v2;
	_ =	sdelay $0x1  }
0x6e: {  	[tilespmem:s28+$0xFB70] =	vst v1;
	s28 =	sshra.s32 s30, $0x2;
	s30 =	sadd.s32 $0x100, s30  }
0x6f: {  	_ =	sdelay $0x3  }
0x70: {  	v1 =	vld.idx.msk [tilespmem:v0+s28+$0x1400 ss:$0x1], $0xffff  }
0x71: {  	v2 =	vld [tilespmem:s28+$0x9740];
	_ =	sdelay $0x4  }
0x72: {  	v1 =	vadd.f32 v1, v2;
	_ =	sdelay $0x1  }
0x73: {  	v2 =	vld [tilespmem:s28+$0x9750];
	[tilespmem:s28+$0xFB40] =	vst v1  }
0x74: {  	v1 =	vld.idx.msk [tilespmem:v0+s28+$0x1410 ss:$0x1], $0xffff;
	_ =	sdelay $0x4  }
0x75: {  	v1 =	vadd.f32 v1, v2;
	_ =	sdelay $0x1  }
0x76: {  	v2 =	vld [tilespmem:s28+$0x9760];
	[tilespmem:s28+$0xFB50] =	vst v1  }
0x77: {  	v1 =	vld.idx.msk [tilespmem:v0+s28+$0x1420 ss:$0x1], $0xffff;
	_ =	sdelay $0x4  }
0x78: {  	v1 =	vadd.f32 v1, v2;
	_ =	sdelay $0x1  }
0x79: {  	[tilespmem:s28+$0xFB60] =	vst v1;
	v1 =	vld [tilespmem:s28+$0x9770]  }
0x7a: {  	v0 =	vld.idx.msk [tilespmem:v0+s28+$0x1430 ss:$0x1], $0xffff;
	_ =	sdelay $0x4  }
0x7b: {  	v0 =	vadd.f32 v0, v1;
	_ =	sdelay $0x1  }
0x7c: {  	s9 =	sadd.s32 @!p1 $0x1E0, s8;
	s30 =	simm.s32 @!p1 $0x9740;
	[tilespmem:s28+$0xFB70] =	vst v0;
	s28 =	simm.s32 @!p1 $0x50  }
0x7d: {  	[tilespmem:s30], [sflag:$0x2] =	stream.indirect.gather @!p1 [hbm4b:s6+s28], $0x40, s9, s28, $0xb8;
	[tilespmem:$0x14B40] =	vst v63  }
0x7e: {  	s30 =	sadd.s32 s3, s29  }
0x7f: {  	s9 =	sshll.u32 s30, $0x3  }
0x80: {  	s9 =	sand.u32 $0x1FFFFF80, s9  }
0x81: {  	s9 =	sadd.s32 s2, s9  }
0x82: {  	[hbm4b:s9+s4] =	stream.linear.scatter [tilespmem:s18], [sflag:$0x7], $0x1400, $0x38;
	[tilespmem:$0x14B40] =	vst v63  }
0x83: {  	_ =	swait.ge [sflag:s19], $0x1400  }
0x84: {  	v0 =	vmov s26;
	[sflag:s19] =	ssyncset.done $0x0  }
0x85: {  	s9 =	simm.s32 @!p0 $0x8;
	[sflag:s19] =	ssyncadd.s32 $0xFFFFEC00  }
0x86: {  	_ =	swait.ge @!p0 [sflag:s9], $0x1400  }
0x87: {  	s26 =	simm.s32 $0x0;
	[sflag:s9] =	ssyncset.done @!p0 $0x0  }
0x88: {  	s28 =	sadd.s32 $0xA0, s7;
	s29 =	simm.s32 $0x100;
	[sflag:s9] =	ssyncadd.s32 @!p0 $0xFFFFEC00  }
.LBB2_7:
0x89: {  	p2 =	sne.s32 s29, $0x4F00;
	v1 =	vld.idx.msk [tilespmem:v0+s26+$0x2800 ss:$0x1], $0xffff  }
0x8a: {  	v2 =	vld [tilespmem:s26+$0xAB40];
	_ =	sdelay $0x4  }
0x8b: {  	v1 =	vadd.f32 v1, v2;
	_ =	sdelay $0x1  }
0x8c: {  	[tilespmem:s26+$0x10F40] =	vst v1  }
0x8d: {  	v1 =	vld.idx.msk [tilespmem:v0+s26+$0x2810 ss:$0x1], $0xffff  }
0x8e: {  	v2 =	vld [tilespmem:s26+$0xAB50];
	_ =	sdelay $0x4  }
0x8f: {  	v1 =	vadd.f32 v1, v2;
	_ =	sdelay $0x1  }
0x90: {  	[tilespmem:s26+$0x10F50] =	vst v1  }
0x91: {  	v1 =	vld.idx.msk [tilespmem:v0+s26+$0x2820 ss:$0x1], $0xffff  }
0x92: {  	v2 =	vld [tilespmem:s26+$0xAB60];
	_ =	sdelay $0x4  }
0x93: {  	v1 =	vadd.f32 v1, v2;
	_ =	sdelay $0x1  }
0x94: {  	[tilespmem:s26+$0x10F60] =	vst v1  }
0x95: {  	v1 =	vld.idx.msk [tilespmem:v0+s26+$0x2830 ss:$0x1], $0xffff  }
0x96: {  	v2 =	vld [tilespmem:s26+$0xAB70];
	_ =	sdelay $0x2  }
.Ltmp2:
0x97: {  	(pc) =	sbr.rel @p2 .LBB2_7-.Ltmp2, $3  }
0x98: {  	_ = 	snop  }
0x99: {  	v1 =	vadd.f32 v1, v2;
	_ =	sdelay $0x1  }
0x9a: {  	[tilespmem:s26+$0x10F70] =	vst v1;
	s26 =	sshra.s32 s29, $0x2;
	s29 =	sadd.s32 $0x100, s29  }
0x9b: {  	_ =	sdelay $0x3  }
0x9c: {  	v1 =	vld.idx.msk [tilespmem:v0+s26+$0x2800 ss:$0x1], $0xffff  }
0x9d: {  	v2 =	vld [tilespmem:s26+$0xAB40];
	_ =	sdelay $0x4  }
0x9e: {  	v1 =	vadd.f32 v1, v2;
	_ =	sdelay $0x1  }
0x9f: {  	v2 =	vld [tilespmem:s26+$0xAB50];
	[tilespmem:s26+$0x10F40] =	vst v1  }
0xa0: {  	v1 =	vld.idx.msk [tilespmem:v0+s26+$0x2810 ss:$0x1], $0xffff;
	_ =	sdelay $0x4  }
0xa1: {  	v1 =	vadd.f32 v1, v2;
	_ =	sdelay $0x1  }
0xa2: {  	v2 =	vld [tilespmem:s26+$0xAB60];
	[tilespmem:s26+$0x10F50] =	vst v1  }
0xa3: {  	v1 =	vld.idx.msk [tilespmem:v0+s26+$0x2820 ss:$0x1], $0xffff;
	_ =	sdelay $0x4  }
0xa4: {  	v1 =	vadd.f32 v1, v2;
	_ =	sdelay $0x1  }
0xa5: {  	[tilespmem:s26+$0x10F60] =	vst v1;
	v1 =	vld [tilespmem:s26+$0xAB70]  }
0xa6: {  	v0 =	vld.idx.msk [tilespmem:v0+s26+$0x2830 ss:$0x1], $0xffff;
	_ =	sdelay $0x4  }
0xa7: {  	v0 =	vadd.f32 v0, v1  }
0xa8: {  	s9 =	sadd.s32 @!p1 $0x230, s8  }
0xa9: {  	s29 =	simm.s32 @!p1 $0xAB40;
	s30 =	sadd.s32 s3, s28;
	[tilespmem:s26+$0x10F70] =	vst v0;
	s26 =	simm.s32 @!p1 $0x50  }
0xaa: {  	[tilespmem:s29], [sflag:$0x3] =	stream.indirect.gather @!p1 [hbm4b:s6+s26], $0x40, s9, s26, $0xb8;
	[tilespmem:$0x14B40] =	vst v63  }
0xab: {  	s9 =	sshll.u32 s30, $0x3  }
0xac: {  	s9 =	sand.u32 $0x1FFFFF80, s9  }
0xad: {  	s9 =	sadd.s32 s2, s9  }
0xae: {  	[hbm4b:s9+s4] =	stream.linear.scatter [tilespmem:s20], [sflag:$0x8], $0x1400, $0x38;
	[tilespmem:$0x14B40] =	vst v63  }
0xaf: {  	_ =	swait.ge [sflag:s21], $0x1400  }
0xb0: {  	v0 =	vmov s25;
	[sflag:s21] =	ssyncset.done $0x0  }
0xb1: {  	s9 =	simm.s32 @!p0 $0x9;
	[sflag:s21] =	ssyncadd.s32 $0xFFFFEC00  }
0xb2: {  	_ =	swait.ge @!p0 [sflag:s9], $0x1400  }
0xb3: {  	s28 =	simm.s32 $0x100;
	[sflag:s9] =	ssyncset.done @!p0 $0x0  }
0xb4: {  	s25 =	simm.s32 $0x0;
	s26 =	sadd.s32 $0xF0, s7;
	[sflag:s9] =	ssyncadd.s32 @!p0 $0xFFFFEC00  }
.LBB2_9:
0xb5: {  	p2 =	sne.s32 s28, $0x4F00;
	v1 =	vld.idx.msk [tilespmem:v0+s25+$0x3C00 ss:$0x1], $0xffff  }
0xb6: {  	v2 =	vld [tilespmem:s25+$0xBF40];
	_ =	sdelay $0x4  }
0xb7: {  	v1 =	vadd.f32 v1, v2;
	_ =	sdelay $0x1  }
0xb8: {  	[tilespmem:s25+$0x12340] =	vst v1  }
0xb9: {  	v1 =	vld.idx.msk [tilespmem:v0+s25+$0x3C10 ss:$0x1], $0xffff  }
0xba: {  	v2 =	vld [tilespmem:s25+$0xBF50];
	_ =	sdelay $0x4  }
0xbb: {  	v1 =	vadd.f32 v1, v2;
	_ =	sdelay $0x1  }
0xbc: {  	[tilespmem:s25+$0x12350] =	vst v1  }
0xbd: {  	v1 =	vld.idx.msk [tilespmem:v0+s25+$0x3C20 ss:$0x1], $0xffff  }
0xbe: {  	v2 =	vld [tilespmem:s25+$0xBF60];
	_ =	sdelay $0x4  }
0xbf: {  	v1 =	vadd.f32 v1, v2;
	_ =	sdelay $0x1  }
0xc0: {  	[tilespmem:s25+$0x12360] =	vst v1  }
0xc1: {  	v1 =	vld.idx.msk [tilespmem:v0+s25+$0x3C30 ss:$0x1], $0xffff  }
0xc2: {  	v2 =	vld [tilespmem:s25+$0xBF70];
	_ =	sdelay $0x2  }
.Ltmp3:
0xc3: {  	(pc) =	sbr.rel @p2 .LBB2_9-.Ltmp3, $3  }
0xc4: {  	_ = 	snop  }
0xc5: {  	v1 =	vadd.f32 v1, v2;
	_ =	sdelay $0x1  }
0xc6: {  	[tilespmem:s25+$0x12370] =	vst v1;
	s25 =	sshra.s32 s28, $0x2;
	s28 =	sadd.s32 $0x100, s28  }
0xc7: {  	_ =	sdelay $0x3  }
0xc8: {  	v1 =	vld.idx.msk [tilespmem:v0+s25+$0x3C00 ss:$0x1], $0xffff  }
0xc9: {  	v2 =	vld [tilespmem:s25+$0xBF40];
	_ =	sdelay $0x4  }
0xca: {  	v1 =	vadd.f32 v1, v2;
	_ =	sdelay $0x1  }
0xcb: {  	v2 =	vld [tilespmem:s25+$0xBF50];
	[tilespmem:s25+$0x12340] =	vst v1  }
0xcc: {  	v1 =	vld.idx.msk [tilespmem:v0+s25+$0x3C10 ss:$0x1], $0xffff;
	_ =	sdelay $0x4  }
0xcd: {  	v1 =	vadd.f32 v1, v2;
	_ =	sdelay $0x1  }
0xce: {  	v2 =	vld [tilespmem:s25+$0xBF60];
	[tilespmem:s25+$0x12350] =	vst v1  }
0xcf: {  	v1 =	vld.idx.msk [tilespmem:v0+s25+$0x3C20 ss:$0x1], $0xffff;
	_ =	sdelay $0x4  }
0xd0: {  	v1 =	vadd.f32 v1, v2;
	_ =	sdelay $0x1  }
0xd1: {  	[tilespmem:s25+$0x12360] =	vst v1;
	v1 =	vld [tilespmem:s25+$0xBF70]  }
0xd2: {  	v0 =	vld.idx.msk [tilespmem:v0+s25+$0x3C30 ss:$0x1], $0xffff;
	_ =	sdelay $0x4  }
0xd3: {  	v0 =	vadd.f32 v0, v1  }
0xd4: {  	s9 =	sadd.s32 @!p1 $0x280, s8  }
0xd5: {  	s28 =	simm.s32 @!p1 $0xBF40;
	s30 =	sadd.s32 s3, s26;
	[tilespmem:s25+$0x12370] =	vst v0;
	s25 =	simm.s32 @!p1 $0x50  }
0xd6: {  	[tilespmem:s28], [sflag:$0x4] =	stream.indirect.gather @!p1 [hbm4b:s6+s25], $0x40, s9, s25, $0xb8;
	[tilespmem:$0x14B40] =	vst v63  }
0xd7: {  	s9 =	sshll.u32 s30, $0x3  }
0xd8: {  	s9 =	sand.u32 $0x1FFFFF80, s9  }
0xd9: {  	s9 =	sadd.s32 s2, s9  }
0xda: {  	[hbm4b:s9+s4] =	stream.linear.scatter [tilespmem:s22], [sflag:$0x9], $0x1400, $0x38;
	[tilespmem:$0x14B40] =	vst v63  }
0xdb: {  	_ =	swait.ge [sflag:s23], $0x1400  }
0xdc: {  	v0 =	vmov s5;
	[sflag:s23] =	ssyncset.done $0x0  }
0xdd: {  	s9 =	simm.s32 @!p0 $0xA;
	[sflag:s23] =	ssyncadd.s32 $0xFFFFEC00  }
0xde: {  	_ =	swait.ge @!p0 [sflag:s9], $0x1400  }
0xdf: {  	s7 =	sadd.s32 $0x140, s7;
	[sflag:s9] =	ssyncset.done @!p0 $0x0  }
0xe0: {  	s5 =	simm.s32 $0x0;
	s25 =	simm.s32 $0x100;
	[sflag:s9] =	ssyncadd.s32 @!p0 $0xFFFFEC00  }
.LBB2_11:
0xe1: {  	p0 =	sne.s32 s25, $0x4F00;
	v1 =	vld.idx.msk [tilespmem:v0+s5+$0x5000 ss:$0x1], $0xffff  }
0xe2: {  	v2 =	vld [tilespmem:s5+$0xD340];
	_ =	sdelay $0x4  }
0xe3: {  	v1 =	vadd.f32 v1, v2;
	_ =	sdelay $0x1  }
0xe4: {  	[tilespmem:s5+$0x13740] =	vst v1  }
0xe5: {  	v1 =	vld.idx.msk [tilespmem:v0+s5+$0x5010 ss:$0x1], $0xffff  }
0xe6: {  	v2 =	vld [tilespmem:s5+$0xD350];
	_ =	sdelay $0x4  }
0xe7: {  	v1 =	vadd.f32 v1, v2;
	_ =	sdelay $0x1  }
0xe8: {  	[tilespmem:s5+$0x13750] =	vst v1  }
0xe9: {  	v1 =	vld.idx.msk [tilespmem:v0+s5+$0x5020 ss:$0x1], $0xffff  }
0xea: {  	v2 =	vld [tilespmem:s5+$0xD360];
	_ =	sdelay $0x4  }
0xeb: {  	v1 =	vadd.f32 v1, v2;
	_ =	sdelay $0x1  }
0xec: {  	[tilespmem:s5+$0x13760] =	vst v1  }
0xed: {  	v1 =	vld.idx.msk [tilespmem:v0+s5+$0x5030 ss:$0x1], $0xffff  }
0xee: {  	v2 =	vld [tilespmem:s5+$0xD370];
	_ =	sdelay $0x2  }
.Ltmp4:
0xef: {  	(pc) =	sbr.rel @p0 .LBB2_11-.Ltmp4, $3  }
0xf0: {  	_ = 	snop  }
0xf1: {  	v1 =	vadd.f32 v1, v2;
	_ =	sdelay $0x1  }
0xf2: {  	[tilespmem:s5+$0x13770] =	vst v1;
	s5 =	sshra.s32 s25, $0x2;
	s25 =	sadd.s32 $0x100, s25  }
0xf3: {  	_ =	sdelay $0x3  }
0xf4: {  	v1 =	vld.idx.msk [tilespmem:v0+s5+$0x5000 ss:$0x1], $0xffff  }
0xf5: {  	v2 =	vld [tilespmem:s5+$0xD340];
	_ =	sdelay $0x4  }
0xf6: {  	v1 =	vadd.f32 v1, v2;
	_ =	sdelay $0x1  }
0xf7: {  	v60 =	vld [tilespmem:s5+$0xD350];
	[tilespmem:s5+$0x13740] =	vst v1  }
0xf8: {  	v1 =	vld.idx.msk [tilespmem:v0+s5+$0x5010 ss:$0x1], $0xffff;
	_ =	sdelay $0x4  }
0xf9: {  	v1 =	vadd.f32 v1, v60;
	_ =	sdelay $0x1  }
0xfa: {  	v61 =	vld [tilespmem:s5+$0xD360];
	[tilespmem:s5+$0x13750] =	vst v1  }
0xfb: {  	v1 =	vld.idx.msk [tilespmem:v0+s5+$0x5020 ss:$0x1], $0xffff;
	_ =	sdelay $0x4  }
0xfc: {  	v1 =	vadd.f32 v1, v61;
	_ =	sdelay $0x1  }
0xfd: {  	v63 =	vld [tilespmem:s5+$0xD370];
	[tilespmem:s5+$0x13760] =	vst v1  }
0xfe: {  	v62 =	vld.idx.msk [tilespmem:v0+s5+$0x5030 ss:$0x1], $0xffff;
	_ =	sdelay $0x4  }
0xff: {  	v0 =	vadd.f32 v62, v63  }
0x100: {  	s9 =	simm.s32 @!p1 $0xD340;
	s14 =	sadd.s32 $0x1, s14  }
0x101: {  	p0 =	sne.s32 s14, $0x14;
	[tilespmem:s5+$0x13770] =	vst v0;
	s5 =	sadd.s32 @!p1 $0x2D0, s8;
	s8 =	simm.s32 @!p1 $0x50  }
0x102: {  	[tilespmem:s9], [sflag:$0x5] =	stream.indirect.gather @!p1 [hbm4b:s6+s8], $0x40, s5, s8, $0xb8;
	[tilespmem:$0x14B40] =	vst v63  }
.Ltmp5:
0x103: {  	s30 =	sadd.s32 s3, s7;
	(pc) =	sbr.rel @p0 .LBB2_2-.Ltmp5, $4  }
0x104: {  	s1 =	sadd.s32 $0x6400, s1;
	s13 =	sadd.s32 $0x190, s13;
	s5 =	sshll.u32 s30, $0x3  }
0x105: {  	s0 =	sadd.s32 $0x190, s0;
	s10 =	sadd.s32 $0x190, s10;
	s5 =	sand.u32 $0x1FFFFF80, s5  }
0x106: {  	s11 =	sadd.s32 $0x190, s11;
	s12 =	sadd.s32 $0x190, s12;
	s5 =	sadd.s32 s2, s5  }
0x107: {  	[hbm4b:s5+s4] =	stream.linear.scatter [tilespmem:s24], [sflag:$0xA], $0x1400, $0x38;
	[tilespmem:$0x14B40] =	vst v63  }
0x108: {  	s0 =	simm.s32 $0x6  }
0x109: {  	_ =	swait.ge [sflag:s0], $0x1400  }
0x10a: {  	[sflag:s0] =	ssyncset.done $0x0  }
0x10b: {  	s26 =	simm.s32 $0x7;
	[sflag:s0] =	ssyncadd.s32 $0xFFFFEC00  }
0x10c: {  	_ =	swait.ge [sflag:s26], $0x1400  }
0x10d: {  	[sflag:s26] =	ssyncset.done $0x0  }
0x10e: {  	s28 =	simm.s32 $0x8;
	[sflag:s26] =	ssyncadd.s32 $0xFFFFEC00  }
0x10f: {  	_ =	swait.ge [sflag:s28], $0x1400  }
0x110: {  	[sflag:s28] =	ssyncset.done $0x0  }
0x111: {  	s29 =	simm.s32 $0x9;
	[sflag:s28] =	ssyncadd.s32 $0xFFFFEC00  }
0x112: {  	_ =	swait.ge [sflag:s29], $0x1400  }
0x113: {  	[sflag:s29] =	ssyncset.done $0x0  }
0x114: {  	s1 =	simm.s32 $0xA;
	[sflag:s29] =	ssyncadd.s32 $0xFFFFEC00  }
0x115: {  	_ =	swait.ge [sflag:s1], $0x1400  }
0x116: {  	s31 =	sadd.s32 $0x1, s31;
	s30 =	rddreg [dreg:$0x5]  }
0x117: {  	p0 =	sne.s32 s31, s30  }
.Ltmp6:
0x118: {  	_ = 	snop;
	(pc) =	sbr.rel @p0 .LBB2_1-.Ltmp6, $3  }
0x119: {  	_ =	sdelay $0x1  }
0x11a: {  	[sflag:s1] =	ssyncset.done $0x0  }
0x11b: {  	[sflag:s1] =	ssyncadd.s32 $0xFFFFEC00  }
0x11c: {  	_ =	sfence.sel $0x180000  }
0x11d: {  	[bflag:$0x0] =	sbarrier.arrive $0xFFFF  }
0x11e: {  	_ =	strace $0x90000047  }
0x11f: {  	s0 =	stileid.u32;
	[bflag:$0x2] =	sbarrier.arrive $0xFFFF  }
0x120: {  	p0 =	sne.s32 s0, $0x0;
	s0 =	rddreg [dreg:$0x2]  }
0x121: {  	s0 =	sadd.s32 @!p0 $0x100000, s0  }
0x122: {  	[sflag:s0] =	ssyncadd.tile.s32 @!p0 $0x1;
	_ =	shalt  }
.Lfunc_end2:
_tile_overlayer_lowered:
.L_overlay_start_2:
0x123: {  	(tag) =	ssettag $0x2  }
0x124: {  	s0 =	rddreg [dreg:$0x0];
	s2 =	stileid.u32  }
0x125: {  	s1 =	rddreg [dreg:$0x1];
	p0 =	sne.s32 s2, $0x0  }
0x126: {  	s3 =	rddreg [dreg:$0x2];
	[bflag:$0x3] =	sbarrier.arrive $0xFFFF;
	s2 =	simm.s32 @!p0 $0x1C0B  }
0x127: {  	[timem:s3], [sflag:s2] =	dma.local @!p0 [hbm:s0], s1  }
0x128: {  	s0 =	simm.s32 @!p0 $0xB  }
0x129: {  	_ =	swait.ge @!p0 [sflag:s0], s1  }
0x12a: {  	s1 =	ssub.s32 @!p0 $0x0, s1;
	[sflag:s0] =	ssyncset.done @!p0 $0x0  }
0x12b: {  	[sflag:s0] =	ssyncadd.s32 @!p0 s1  }
0x12c: {  	[bflag:$0x3] =	sbarrier.arrive $0xFFFF  }
0x12d: {  	_ =	shalt  }

// kernel: sparse-core-data-format-call.cloned.1.call-start
scs
called_computation_lowered:
.L_overlay_start_0:
0x0: {  	s2 =	sld [smem:$0x3FD9]  }
0x1: {  	s3 =	sld [smem:$0x3FFE];
	_ =	sdelay $0x1  }
0x2: {  	s1 =	srdreg.scid  }
0x3: {  	s0 =	sand.u32 $0x1, s1  }
0x4: {  	s18 =	sshll.u32 s0, $0xA;
	s2 =	sadd.s32 s3, s2  }
0x5: {  	s2 =	sadd.s32 s2, s18  }
0x6: {  	[smem:$0x3FC4] =	sst s2  }
0x7: {  	_ = 	snop  }
0x8: {  	s2 =	sld [smem:$0x3FD0];
	(tm) =	ssettm $0x1  }
0x9: {  	s19 =	sld [smem:$0x3FFB];
	_ =	sdelay $0x3  }
0xa: {  	_ =	strace s19  }
0xb: {  	s3 =	sld [smem:$0x3FFC];
	_ =	sdelay $0x3  }
0xc: {  	_ =	strace s3  }
0xd: {  	s3 =	sld [smem:$0x3FFD];
	_ =	sdelay $0x3  }
0xe: {  	_ =	strace s3  }
0xf: {  	_ =	strace $0x8FFFFFFF  }
0x10: {  	s20 =	sld [smem:$0x3FDB];
	_ =	sdelay $0x1  }
0x11: {  	s4 =	simm.s32 $_scs_section_size  }
0x12: {  	s5 =	simm.s32 $_size__tile_overlayer_lowered;
	s6 =	simm.s32 $_tile_overlayer_lowered  }
0x13: {  	s23 =	simm.s32 $0x1BFF;
	s22 =	sshll.u32 s6, $0x1;
	s3 =	sadd.s32 s4, s20  }
0x14: {  	s7 =	simm.s32 $0x0;
	s21 =	sshll.u32 s5, $0x1;
	s5 =	sadd.s32 s22, s3  }
0x15: {  	[timem:s7], [sflag:s23] =	dma.local [hbm:s5], s21  }
0x16: {  	_ =	swait.ge [sflag:s23], s21  }
0x17: {  	s4 =	ssub.s32 $0x0, s21;
	[sflag:s23] =	ssyncset.done $0x0  }
0x18: {  	[sflag:s23] =	ssyncadd.s32 s4;
	_ =	sdelay $0x1  }
0x19: {  	s24 =	simm.s32 $0x1B8B  }
0x1a: {  	_ =	swait.ge [sflag:s24], $0x1  }
0x1b: {  	[sflag:s24] =	ssyncset.done $0x0  }
0x1c: {  	s26 =	simm.s32 $0x1B8E;
	s25 =	sld [smem:$0x3FFE];
	[sflag:s24] =	ssyncadd.s32 $0xFFFFFFFF  }
0x1d: {  	s27 =	simm.s32 $execute0_lowered;
	[smem:$0x3FD2] =	sst s26  }
0x1e: {  	s5 =	sshll.u32 s27, $0x1;
	_ =	strace $0x80000049;
	[dreg:$0x1] =	wrdreg $0xFFFFFFFF  }
0x1f: {  	s28 =	simm.s32 $_size_execute0_lowered;
	s3 =	sadd.s32 s3, s5;
	[dreg:$0x0] =	wrdreg $0x0  }
0x20: {  	s5 =	sshll.u32 s28, $0x1;
	[dreg:$0x2] =	wrdreg s3  }
0x21: {  	[dreg:$0x3] =	wrdreg s5  }
0x22: {  	[dreg:$0x4] =	wrdreg $0xC0  }
0x23: {  	_ =	task [dreg:s7], $0x5FFFF  }
0x24: {  	[dreg:$0x1] =	wrdreg $0xFFFFFFFF  }
0x25: {  	[dreg:$0x0] =	wrdreg $0x60  }
0x26: {  	[dreg:$0x2] =	wrdreg s25  }
0x27: {  	[dreg:$0x3] =	wrdreg s2  }
0x28: {  	[dreg:$0x4] =	wrdreg $0x9  }
0x29: {  	_ =	task.clear_ibuf [dreg:s7], $0x5FFFF;
	_ =	strace $0x90000049  }
0x2a: {  	s29 =	simm.s32 $0x9;
	_ =	strace $0x8000004B  }
0x2b: {  	_ =	swait.ge [sflag:s29], $0x1  }
0x2c: {  	[sflag:s29] =	ssyncadd.s32 $0xFFFFFFFF  }
0x2d: {  	_ =	strace $0x9000004B  }
0x2e: {  	_ =	sfence  }
0x2f: {  	s30 =	sld [smem:$0x0];
	_ =	sdelay $0x2  }
0x30: {  	s31 =	sshll.u32 s1, $0xD;
	s1 =	sshrl.u32 s1, $0x2  }
0x31: {  	s3 =	sand.u32 $0x4000, s31;
	s1 =	sadd.s32 s1, s30  }
0x32: {  	s0 =	sor.u32 s3, s0;
	s1 =	sshll.u32 s1, $0x11  }
0x33: {  	s0 =	sor.u32 s1, s0  }
0x34: {  	s0 =	sadd.s32 $0x8F2B, s0  }
0x35: {  	[sflag:s0] =	ssyncadd.remote.s32 $0x1  }
0x36: {  	_ =	sfence.sel $0xFFFF  }
0x37: {  	[dreg:$0x0] =	wrdreg $0xFFFFFFFF;
	(pc) =	sbr.abs _section_cstart, $3  }
0x38: {  	[dreg:$0x1] =	wrdreg $0xFFFFFFFF  }
0x39: {  	_ =	task.clear_ibuf [dreg:s7], $0x2FFFF;
	_ =	strace $0x9FFFFFFF  }
0x3a: {  	(tm) =	ssettm $0x7FFFFFFF  }
0x3b: {  	_ =	shalt  }
tec
execute0_lowered:
.L_overlay_start_1:
0x0: {  	(tag) =	ssettag $0x1  }
0x1: {  	s0 =	stileid.u32  }
0x2: {  	s7 =	rddreg [dreg:$0x0];
	s1 =	srdreg.scid  }
0x3: {  	s2 =	rddreg [dreg:$0x1];
	s31 =	simm.s32 $0x2;
	s13 =	simm.s32 $0x0  }
0x4: {  	s14 =	simm.s32 $0x0;
	s3 =	sshll.u32 s0, $0x7;
	s4 =	sshll.u32 s1, $0x4  }
0x5: {  	s12 =	simm.s32 $0x0;
	s3 =	sand.u32 $0x380, s3;
	s4 =	sand.u32 $0x10, s4  }
0x6: {  	s1 =	rddreg [dreg:$0x2];
	s5 =	ssub.s32 $0x400, s3;
	s4 =	sor.u32 s0, s4  }
0x7: {  	_ =	strace $0x8000004A;
	s6 =	sand.u32 $0x380, s5;
	s4 =	sshrl.u32 s4, $0x3  }
0x8: {  	s8 =	sshrl.u32 s5, $0xA;
	p0 =	sne.s32 s6, $0x0;
	s6 =	simm.s32 $0x1  }
.Ltmp0:
0x9: {  	s9 =	ssub.s32 $0xFD, s4;
	s6 =	simm.s32 @!p0 $0x0;
	(pc) =	sbr.rel .LBB1_1-.Ltmp0, $4  }
0xa: {  	s5 =	simm.s32 $0x1;
	s30 =	sshrl.u32 s9, $0x2;
	s6 =	sadd.s32 s6, s8  }
0xb: {  	s7 =	sadd.s32 $0x1800, s7;
	[sflag:s5] =	ssyncpa.u1 $0x0;
	s6 =	smul.u32 s30, s6  }
0xc: {  	s11 =	smov.u32 s3;
	s10 =	smov.u32 s4;
	[sflag:s31] =	ssyncpa.u1 $0x0  }
0xd: {  	p0 =	por $0x0, $0x0;
	s9 =	simm.s32 $0x2000;
	s8 =	sadd.s32 $0x1, s6  }
.LBB1_4:
0xe: {  	s17 =	sand.u32 $0x1F80, s14;
	s13 =	sshll.u32 s13, $0xD  }
0xf: {  	[tilespmem:s16+$0x810 ss:$0x81] =	vst.msk $0xffff, v2;
	s18 =	sshrl.u32 s14, $0x3;
	s31 =	sand.u32 $0x7, s14;
	s17 =	sadd.s32 s2, s17  }
0x10: {  	[tilespmem:s16+$0x1020 ss:$0x81] =	vst.msk $0xffff, v0;
	s18 =	sand.u32 $0xF, s18;
	s14 =	sshll.u32 s31, $0x12;
	s13 =	sadd.s32 s13, s17  }
0x11: {  	[tilespmem:s16+$0x0 ss:$0x81] =	vst.msk $0xffff, v1;
	s14 =	sor.u32 $0x400, s14;
	s13 =	sadd.s32 s18, s13  }
0x12: {  	[hbm4b:s13+s14] =	stream.strided.scatter [tilespmem:s15], [sflag:$0x2], $0x2000, s9, s14, $0x20;
	[tilespmem:$0x8080] =	vst v63  }
.LBB1_5:
0x13: {  	s15 =	sadd.s32 $0x4, s10  }
0x14: {  	s13 =	sadd.s32 $0x400, s11;
	s17 =	smov.u32 s11;
	p2 =	sgt.s32 s15, $0xF9  }
0x15: {  	s17 =	smov.u32 @p2 s13  }
0x16: {  	s15 =	smov.u32 @p2 s4;
	p2 =	sgt.s32 s17, $0x3FF  }
0x17: {  	s17 =	smov.u32 @p2 s3;
	p2 =	sne.s32 s12, s8  }
.Ltmp1:
0x18: {  	p1 =	slt.u32 s12, $0x2;
	(pc) =	sbr.rel @!p2 .LBB1_6-.Ltmp1, $4  }
0x19: {  	s16 =	simm.s32 @!p1 $0x2  }
0x1a: {  	s14 =	smov.u32 s11;
	p0 =	por !p0, !p0;
	_ =	swait.ge @!p1 [sflag:s16], $0x2000  }
0x1b: {  	s13 =	smov.u32 s10;
	[sflag:s16] =	ssyncset.done @!p1 $0x0;
	s10 =	smov.u32 s15  }
0x1c: {  	s12 =	sadd.s32 $0x1, s12;
	[sflag:s16] =	ssyncadd.s32 @!p1 $0xFFFFE000;
	s11 =	smov.u32 s17  }
.LBB1_1:
0x1d: {  	p1 =	sge.u32 s12, s6  }
0x1e: {  	s31 =	sadd.s32 $0xFFFFFFFF, s12;
	s15 =	sxor.u32 @!p1 $0xFFFFFFFF, s12  }
0x1f: {  	s16 =	sshll.u32 @!p1 s11, $0xC;
	s17 =	sshll.u32 @!p1 s10, $0x4;
	s18 =	simm.s32 @!p1 $0x8000  }
0x20: {  	s15 =	sshll.u32 @!p1 s15, $0xD;
	s17 =	sand.u32 @!p1 $0xFF0, s17;
	s16 =	sadd.s32 @!p1 s7, s16  }
0x21: {  	s15 =	sand.u32 @!p1 $0x2000, s15;
	s16 =	sadd.s32 @!p1 s17, s16;
	s17 =	simm.s32 @!p1 $0x40  }
0x22: {  	[tilespmem:s15], [sflag:$0x1] =	stream.strided.gather @!p1 [hbm4b:s16+s17], $0x2000, s18, s17, $0x38;
	[tilespmem:$0x8080] =	vst v63  }
0x23: {  	p1 =	sge.u32 s31, s6  }
.Ltmp2:
0x24: {  	_ = 	snop;
	(pc) =	sbr.rel @p1 .LBB1_5-.Ltmp2, $1  }
0x25: {  	_ =	sdelay $0x3  }
0x26: {  	s15 =	simm.s32 $0x1  }
0x27: {  	_ =	swait.ge [sflag:s5], $0x2000;
	s15 =	simm.s32 @!p0 $0x0  }
0x28: {  	[sflag:s5] =	ssyncset.done $0x0;
	s16 =	sshll.u32 s15, $0xD  }
0x29: {  	[sflag:s5] =	ssyncadd.s32 $0xFFFFE000;
	s19 =	sor.u32 $0x20, s16  }
0x2a: {  	s15 =	smul.u32 $0x8100, s15;
	v3 =	vld [tilespmem:s19+$0x10]  }
0x2b: {  	s30 =	sand.u32 $0x1, s12;
	v2 =	vld [tilespmem:s19+$0xFFFFFFF0]  }
0x2c: {  	s16 =	smul.u32 $0x8100, s30;
	s15 =	sshrl.u32 s15, $0x2;
	v0 =	vld [tilespmem:s19+$0x0]  }
0x2d: {  	v1 =	vld [tilespmem:s19+$0xFFFFFFE0];
	s17 =	sor.u32 $0x4000, s15  }
0x2e: {  	s31 =	sshrl.u32 s16, $0x2;
	s16 =	sadd.s32 $0x0, s17  }
0x2f: {  	s18 =	simm.s32 $0x4;
	s19 =	sadd.s32 $0x40, s19;
	s15 =	sor.u32 $0x4000, s31;
	[tilespmem:s16+$0x1830 ss:$0x81] =	vst.msk $0xffff, v3  }
.LBB1_3:
0x30: {  	v3 =	vld [tilespmem:s19+$0x10];
	p1 =	sne.s32 s18, $0x1FC;
	[tilespmem:s16+$0x810 ss:$0x81] =	vst.msk $0xffff, v2;
	s20 =	smov.u32 s18;
	s18 =	sadd.s32 $0x4, s18  }
.Ltmp3:
0x31: {  	v2 =	vld [tilespmem:s19+$0xFFFFFFF0];
	[tilespmem:s16+$0x1020 ss:$0x81] =	vst.msk $0xffff, v0;
	(pc) =	sbr.rel @p1 .LBB1_3-.Ltmp3, $4  }
0x32: {  	v0 =	vld [tilespmem:s19+$0x0];
	[tilespmem:s16+$0x0 ss:$0x81] =	vst.msk $0xffff, v1  }
0x33: {  	s16 =	sshra.s32 s20, $0x2;
	v1 =	vld [tilespmem:s19+$0xFFFFFFE0]  }
0x34: {  	s16 =	sadd.s32 s16, s17  }
0x35: {  	s19 =	sadd.s32 $0x40, s19;
	[tilespmem:s16+$0x1830 ss:$0x81] =	vst.msk $0xffff, v3  }
.Ltmp4:
0x36: {  	_ = 	snop;
	(pc) =	sbr.rel .LBB1_4-.Ltmp4, $1  }
0x37: {  	_ =	sdelay $0x3  }
.LBB1_6:
0x38: {  	_ =	sfence.sel $0x180000  }
0x39: {  	s2 =	simm.s32 $0x1;
	[bflag:$0x0] =	sbarrier.arrive $0xFFFF  }
0x3a: {  	s31 =	simm.s32 $0x2;
	[sflag:s2] =	ssyncpa.u1 $0x1  }
0x3b: {  	[sflag:s31] =	ssyncpa.u1 $0x1  }
0x3c: {  	p0 =	sne.s32 s0, $0x0;
	_ =	strace $0x9000004A  }
0x3d: {  	s0 =	sadd.s32 @!p0 $0x100000, s1;
	[bflag:$0x2] =	sbarrier.arrive $0xFFFF  }
0x3e: {  	[sflag:s0] =	ssyncadd.tile.s32 @!p0 $0x1;
	_ =	shalt  }
.Lfunc_end1:
_tile_overlayer_lowered:
.L_overlay_start_2:
0x3f: {  	(tag) =	ssettag $0x2  }
0x40: {  	s0 =	rddreg [dreg:$0x0];
	s2 =	stileid.u32  }
0x41: {  	s1 =	rddreg [dreg:$0x1];
	p0 =	sne.s32 s2, $0x0  }
0x42: {  	s3 =	rddreg [dreg:$0x2];
	[bflag:$0x3] =	sbarrier.arrive $0xFFFF;
	s2 =	simm.s32 @!p0 $0x1C01  }
0x43: {  	[timem:s3], [sflag:s2] =	dma.local @!p0 [hbm:s0], s1  }
0x44: {  	s0 =	simm.s32 @!p0 $0x1  }
0x45: {  	_ =	swait.ge @!p0 [sflag:s0], s1  }
0x46: {  	s1 =	ssub.s32 @!p0 $0x0, s1;
	[sflag:s0] =	ssyncset.done @!p0 $0x0  }
0x47: {  	[sflag:s0] =	ssyncadd.s32 @!p0 s1  }
0x48: {  	[bflag:$0x3] =	sbarrier.arrive $0xFFFF  }
0x49: {  	_ =	shalt  }

</sc_bundles>
